<compile_context>
chip_gen: v7x
topology: tpu7x:2x2x1
jax: 0.10.2.dev20260603
libtpu: 0.0.44.dev20260713+nightly
codegen_flags: <defaults>
</compile_context>

<pallas_src>
import functools

import jax
import jax.numpy as jnp
from jax import lax
from jax.experimental import pallas as pl
from jax.experimental.pallas import tpu as pltpu
from jax.experimental.pallas import tpu_sc as plsc

_GATHER_DNUMS = lax.GatherDimensionNumbers(
    offset_dims=(), collapsed_slice_dims=(0,), start_index_map=(0,))


def _permute(v, idx):
    return lax.gather(v, idx[:, None], _GATHER_DNUMS, (1,),
                      mode=lax.GatherScatterMode.PROMISE_IN_BOUNDS)


def _butterfly(v, op, lane):
    for sh in (1, 2, 4, 8):
        v = op(v, _permute(v, lane ^ sh))
    return v


_N = 20000
_MAX_DET = 40
_IOU_THR = 0.5
_NEG = -1e30

_LANES = 16
_TILES = 16
_PER_TILE = 1280
_NV = _PER_TILE // _LANES
_NPAD = _TILES * _PER_TILE
_BLKW = _TILES * _LANES


def _nms_body(x1_hbm, y1_hbm, x2_hbm, y2_hbm, sc_hbm, out_hbm,
              X1, Y1, X2, Y2, AREA, SCOR, WORK, REC, BLK, OUT, SHARED):
    c = lax.axis_index("c")
    s = lax.axis_index("s")
    base = s * _PER_TILE

    pltpu.sync_copy(x1_hbm.at[pl.ds(base, _PER_TILE)], X1)
    pltpu.sync_copy(y1_hbm.at[pl.ds(base, _PER_TILE)], Y1)
    pltpu.sync_copy(x2_hbm.at[pl.ds(base, _PER_TILE)], X2)
    pltpu.sync_copy(y2_hbm.at[pl.ds(base, _PER_TILE)], Y2)
    pltpu.sync_copy(sc_hbm.at[pl.ds(base, _PER_TILE)], SCOR)
    pltpu.sync_copy(sc_hbm.at[pl.ds(base, _PER_TILE)], WORK)

    lane = lax.iota(jnp.int32, _LANES)
    neg16 = jnp.full((_LANES,), _NEG, jnp.float32)
    zero16i = jnp.zeros((_LANES,), jnp.int32)

    def publish(bestv, bestj, off):
        m = _butterfly(bestv, jnp.maximum, lane)
        wlane = _butterfly(jnp.where(bestv == m, lane, _LANES),
                           jnp.minimum, lane)
        jloc = _butterfly(jnp.where(lane == wlane, bestj, 0),
                          jnp.maximum, lane)
        liv = jloc * _LANES + wlane
        wx1 = plsc.load_gather(X1, [liv])
        wy1 = plsc.load_gather(Y1, [liv])
        wx2 = plsc.load_gather(X2, [liv])
        wy2 = plsc.load_gather(Y2, [liv])
        wa = plsc.load_gather(AREA, [liv])
        wos = plsc.load_gather(SCOR, [liv])
        rec = jnp.where(lane == 0, m,
              jnp.where(lane == 1, wx1,
              jnp.where(lane == 2, wy1,
              jnp.where(lane == 3, wx2,
              jnp.where(lane == 4, wy2,
              jnp.where(lane == 5, wa,
              jnp.where(lane == 6, wos, 0.0)))))))
        REC[...] = rec
        pltpu.sync_copy(REC, SHARED.at[pl.ds(off + s * _LANES, _LANES)])

    @plsc.parallel_loop(0, _NV, carry=(neg16, zero16i), unroll=4)
    def init_loop(j, carry):
        bestv, bestj = carry
        sl = pl.ds(j * _LANES, _LANES)
        area = (jnp.maximum(X2[sl] - X1[sl], 0.0) *
                jnp.maximum(Y2[sl] - Y1[sl], 0.0))
        AREA[sl] = area
        w = WORK[sl]
        upd = w > bestv
        return jnp.where(upd, w, bestv), jnp.where(upd, j, bestj)

    bestv, bestj = init_loop
    publish(bestv, bestj, 0)
    plsc.subcore_barrier()

    def round_body(i, _):
        pr = jnp.bitwise_and(i, 1)
        pltpu.sync_copy(SHARED.at[pl.ds(pr * _BLKW, _BLKW)], BLK)
        cscore = plsc.load_gather(BLK, [lane * _LANES])
        m = _butterfly(cscore, jnp.maximum, lane)
        wtv = _butterfly(jnp.where(cscore == m, lane, _LANES),
                         jnp.minimum, lane)
        wbase = wtv * _LANES
        wx1 = plsc.load_gather(BLK, [wbase + 1])
        wy1 = plsc.load_gather(BLK, [wbase + 2])
        wx2 = plsc.load_gather(BLK, [wbase + 3])
        wy2 = plsc.load_gather(BLK, [wbase + 4])
        wa = plsc.load_gather(BLK, [wbase + 5])
        wos = plsc.load_gather(BLK, [wbase + 6])

        det = jnp.where(lane == 0, wx1,
              jnp.where(lane == 1, wy1,
              jnp.where(lane == 2, wx2,
              jnp.where(lane == 3, wy2,
              jnp.where(lane == 4, wos, 0.0)))))
        plsc.store_scatter(OUT, [i * _LANES + lane], det)

        wc = wa + 1e-8

        def sup_loop(j, carry):
            bv = list(carry[:4])
            bj = list(carry[4:])
            for k in range(4):
                sl = pl.ds((j + k) * _LANES, _LANES)
                ix1 = jnp.maximum(X1[sl], wx1)
                iy1 = jnp.maximum(Y1[sl], wy1)
                ix2 = jnp.minimum(X2[sl], wx2)
                iy2 = jnp.minimum(Y2[sl], wy2)
                inter = (jnp.maximum(ix2 - ix1, 0.0) *
                         jnp.maximum(iy2 - iy1, 0.0))
                w = jnp.where(3.0 * inter > wc + AREA[sl], _NEG, WORK[sl])
                WORK[sl] = w
                upd = w > bv[k]
                bv[k] = jnp.where(upd, w, bv[k])
                bj[k] = jnp.where(upd, j + k, bj[k])
            return tuple(bv) + tuple(bj)

        res = lax.fori_loop(0, _NV // 4, lambda t, c: sup_loop(t * 4, c),
                            (neg16,) * 4 + (zero16i,) * 4)
        bestv, bestj = res[0], res[4]
        for k in range(1, 4):
            upd = res[k] > bestv
            bestv = jnp.where(upd, res[k], bestv)
            bestj = jnp.where(upd, res[4 + k], bestj)
        publish(bestv, bestj, (1 - pr) * _BLKW)
        plsc.subcore_barrier()
        return 0

    lax.fori_loop(0, _MAX_DET, round_body, 0)

    @pl.when((c == 0) & (s == 0))
    def _():
        pltpu.sync_copy(OUT, out_hbm)


@jax.jit
def _nms_sc(x1, y1, x2, y2, sc):
    mesh = plsc.VectorSubcoreMesh(core_axis_name="c", subcore_axis_name="s",
                                  num_cores=2, num_subcores=16)
    f = functools.partial(
        pl.kernel,
        out_type=jax.ShapeDtypeStruct((_MAX_DET * _LANES,), jnp.float32),
        mesh=mesh,
        compiler_params=pltpu.CompilerParams(needs_layout_passes=False),
        scratch_types=[
            pltpu.VMEM((_PER_TILE,), jnp.float32),
            pltpu.VMEM((_PER_TILE,), jnp.float32),
            pltpu.VMEM((_PER_TILE,), jnp.float32),
            pltpu.VMEM((_PER_TILE,), jnp.float32),
            pltpu.VMEM((_PER_TILE,), jnp.float32),
            pltpu.VMEM((_PER_TILE,), jnp.float32),
            pltpu.VMEM((_PER_TILE,), jnp.float32),
            pltpu.VMEM((_LANES,), jnp.float32),
            pltpu.VMEM((_BLKW,), jnp.float32),
            pltpu.VMEM((_MAX_DET * _LANES,), jnp.float32),
            pltpu.VMEM_SHARED((2 * _BLKW,), jnp.float32),
        ],
    )(_nms_body)
    return f(x1, y1, x2, y2, sc)


def kernel(boxes, scores):
    x1 = jnp.zeros((_NPAD,), jnp.float32).at[:_N].set(boxes[:, 0])
    y1 = jnp.zeros((_NPAD,), jnp.float32).at[:_N].set(boxes[:, 1])
    x2 = jnp.zeros((_NPAD,), jnp.float32).at[:_N].set(boxes[:, 2])
    y2 = jnp.zeros((_NPAD,), jnp.float32).at[:_N].set(boxes[:, 3])
    sc = jnp.full((_NPAD,), _NEG, jnp.float32).at[:_N].set(scores)
    flat = _nms_sc(x1, y1, x2, y2, sc)
    return flat.reshape(_MAX_DET, _LANES)[:, :5]

# --- scband reference (transcript-rebuilt; emitter-appended) ---
"""Pipeline reference for scband-retina-net-75411035783512 (READ-ONLY COPY).

The authoritative reference and input builder live on the scoring server;
editing this copy changes nothing except your own understanding.
"""

import jax, jax.numpy as jnp
import numpy as np

N = 20000
MAX_DET = 40
IOU_THR = 0.5
NEG = -1e30


def setup_inputs(seed: int = 0) -> dict:
    key = jax.random.key(seed)
    k1, k2, k3 = jax.random.split(key, 3)
    xy = jax.random.uniform(k1, (N, 2), dtype=jnp.float32) * 480.0
    wh = jax.random.uniform(k2, (N, 2), dtype=jnp.float32) * 64.0 + 4.0
    boxes = jnp.concatenate([xy, xy + wh], axis=1)
    scores = jax.random.uniform(k3, (N,), dtype=jnp.float32)
    return {"boxes": boxes, "scores": scores}


def _iou_one_to_many(box, boxes):
    x1 = jnp.maximum(box[0], boxes[:, 0])
    y1 = jnp.maximum(box[1], boxes[:, 1])
    x2 = jnp.minimum(box[2], boxes[:, 2])
    y2 = jnp.minimum(box[3], boxes[:, 3])
    inter = jnp.clip(x2 - x1, 0.0) * jnp.clip(y2 - y1, 0.0)
    area1 = jnp.clip(box[2] - box[0], 0.0) * jnp.clip(box[3] - box[1], 0.0)
    area2 = jnp.clip(boxes[:, 2] - boxes[:, 0], 0.0) * jnp.clip(boxes[:, 3] - boxes[:, 1], 0.0)
    return inter / (area1 + area2 - inter + 1e-8)


def reference(boxes, scores):
    # Greedy NMS as in RetinaNet detection post-processing:
    # repeatedly pick the highest-scoring box, suppress boxes with IoU > threshold,
    # for max_detections iterations.
    def step(work, _):
        idx = jnp.argmax(work)
        ious = _iou_one_to_many(boxes[idx], boxes)
        suppress = ious > IOU_THR
        work = jnp.where(suppress, NEG, work)
        return work, idx

    _, sel = jax.lax.scan(step, scores, None, length=MAX_DET)
    sel_boxes = jnp.take(boxes, sel, axis=0)
    sel_scores = jnp.take(scores, sel, axis=0)
    detections = jnp.concatenate([sel_boxes, sel_scores[:, None]], axis=1)
    return detections

if __name__ == "__main__":
    import jax
    _d = setup_inputs()
    print(jax.jit(kernel)(*tuple(_d.values())))

</pallas_src>

<mosaic_0001>
#map = affine_map<(d0, d1) -> (0)>
module attributes {stable_mosaic.version = 14 : i64} {
  func.func @_nms_body(%arg0: i32, %arg1: i32, %arg2: memref<20480xf32, #tpu.memory_space<hbm>>, %arg3: memref<20480xf32, #tpu.memory_space<hbm>>, %arg4: memref<20480xf32, #tpu.memory_space<hbm>>, %arg5: memref<20480xf32, #tpu.memory_space<hbm>>, %arg6: memref<20480xf32, #tpu.memory_space<hbm>>, %arg7: memref<640xf32, #tpu.memory_space<hbm>>, %arg8: memref<1280xf32, #tpu.memory_space<vmem>>, %arg9: memref<1280xf32, #tpu.memory_space<vmem>>, %arg10: memref<1280xf32, #tpu.memory_space<vmem>>, %arg11: memref<1280xf32, #tpu.memory_space<vmem>>, %arg12: memref<1280xf32, #tpu.memory_space<vmem>>, %arg13: memref<1280xf32, #tpu.memory_space<vmem>>, %arg14: memref<1280xf32, #tpu.memory_space<vmem>>, %arg15: memref<16xf32, #tpu.memory_space<vmem>>, %arg16: memref<256xf32, #tpu.memory_space<vmem>>, %arg17: memref<640xf32, #tpu.memory_space<vmem>>, %arg18: memref<512xf32, #tpu.memory_space<vmem_shared>>) attributes {dimension_semantics = [#tpu.dimension_semantics<core_parallel>, #tpu.dimension_semantics<subcore_parallel>], iteration_bounds = array<i64: 2, 16>, scalar_prefetch = 0 : i64, scratch_operands = 11 : i64, tpu.core_type = #tpu.core_type<sc_vector_subcore>, window_params = [{transform_indices = #map}, {transform_indices = #map}, {transform_indices = #map}, {transform_indices = #map}, {transform_indices = #map}, {transform_indices = #map}]} {
    %mul3A = arith.constant 1280 : i32
    %mul3A_0 = arith.muli %arg1, %mul3A : i32
    "tpu.region"() ({
      %run_scoped3A = tpu.sem_alloc : memref<!tpu.dma_semaphore, #tpu.memory_space<semaphore_mem>>
      %dma_start3A = tpu.memref_slice %arg2[%mul3A_0] : memref<20480xf32, #tpu.memory_space<hbm>> -> memref<1280xf32, #tpu.memory_space<hbm>>
      %dma_start3A_147 = tpu.memref_slice %arg2[%mul3A_0] : memref<20480xf32, #tpu.memory_space<hbm>> -> memref<1280xf32, #tpu.memory_space<hbm>>
      tpu.enqueue_dma source(%dma_start3A_147 : memref<1280xf32, #tpu.memory_space<hbm>>) target(%arg8 : memref<1280xf32, #tpu.memory_space<vmem>>) target_semaphore(%run_scoped3A : memref<!tpu.dma_semaphore, #tpu.memory_space<semaphore_mem>>)
      %dma_wait3A = tpu.memref_slice %arg2[%mul3A_0] : memref<20480xf32, #tpu.memory_space<hbm>> -> memref<1280xf32, #tpu.memory_space<hbm>>
      %dma_wait3A_148 = tpu.memref_slice %arg2[%mul3A_0] : memref<20480xf32, #tpu.memory_space<hbm>> -> memref<1280xf32, #tpu.memory_space<hbm>>
      tpu.wait_dma2 semaphore(%run_scoped3A : memref<!tpu.dma_semaphore, #tpu.memory_space<semaphore_mem>>) src(%dma_wait3A_148 : memref<1280xf32, #tpu.memory_space<hbm>>) dst(%arg8 : memref<1280xf32, #tpu.memory_space<vmem>>)
      tpu.yield
    }) : () -> ()
    "tpu.region"() ({
      %run_scoped3A = tpu.sem_alloc : memref<!tpu.dma_semaphore, #tpu.memory_space<semaphore_mem>>
      %dma_start3A = tpu.memref_slice %arg3[%mul3A_0] : memref<20480xf32, #tpu.memory_space<hbm>> -> memref<1280xf32, #tpu.memory_space<hbm>>
      %dma_start3A_147 = tpu.memref_slice %arg3[%mul3A_0] : memref<20480xf32, #tpu.memory_space<hbm>> -> memref<1280xf32, #tpu.memory_space<hbm>>
      tpu.enqueue_dma source(%dma_start3A_147 : memref<1280xf32, #tpu.memory_space<hbm>>) target(%arg9 : memref<1280xf32, #tpu.memory_space<vmem>>) target_semaphore(%run_scoped3A : memref<!tpu.dma_semaphore, #tpu.memory_space<semaphore_mem>>)
      %dma_wait3A = tpu.memref_slice %arg3[%mul3A_0] : memref<20480xf32, #tpu.memory_space<hbm>> -> memref<1280xf32, #tpu.memory_space<hbm>>
      %dma_wait3A_148 = tpu.memref_slice %arg3[%mul3A_0] : memref<20480xf32, #tpu.memory_space<hbm>> -> memref<1280xf32, #tpu.memory_space<hbm>>
      tpu.wait_dma2 semaphore(%run_scoped3A : memref<!tpu.dma_semaphore, #tpu.memory_space<semaphore_mem>>) src(%dma_wait3A_148 : memref<1280xf32, #tpu.memory_space<hbm>>) dst(%arg9 : memref<1280xf32, #tpu.memory_space<vmem>>)
      tpu.yield
    }) : () -> ()
    "tpu.region"() ({
      %run_scoped3A = tpu.sem_alloc : memref<!tpu.dma_semaphore, #tpu.memory_space<semaphore_mem>>
      %dma_start3A = tpu.memref_slice %arg4[%mul3A_0] : memref<20480xf32, #tpu.memory_space<hbm>> -> memref<1280xf32, #tpu.memory_space<hbm>>
      %dma_start3A_147 = tpu.memref_slice %arg4[%mul3A_0] : memref<20480xf32, #tpu.memory_space<hbm>> -> memref<1280xf32, #tpu.memory_space<hbm>>
      tpu.enqueue_dma source(%dma_start3A_147 : memref<1280xf32, #tpu.memory_space<hbm>>) target(%arg10 : memref<1280xf32, #tpu.memory_space<vmem>>) target_semaphore(%run_scoped3A : memref<!tpu.dma_semaphore, #tpu.memory_space<semaphore_mem>>)
      %dma_wait3A = tpu.memref_slice %arg4[%mul3A_0] : memref<20480xf32, #tpu.memory_space<hbm>> -> memref<1280xf32, #tpu.memory_space<hbm>>
      %dma_wait3A_148 = tpu.memref_slice %arg4[%mul3A_0] : memref<20480xf32, #tpu.memory_space<hbm>> -> memref<1280xf32, #tpu.memory_space<hbm>>
      tpu.wait_dma2 semaphore(%run_scoped3A : memref<!tpu.dma_semaphore, #tpu.memory_space<semaphore_mem>>) src(%dma_wait3A_148 : memref<1280xf32, #tpu.memory_space<hbm>>) dst(%arg10 : memref<1280xf32, #tpu.memory_space<vmem>>)
      tpu.yield
    }) : () -> ()
    "tpu.region"() ({
      %run_scoped3A = tpu.sem_alloc : memref<!tpu.dma_semaphore, #tpu.memory_space<semaphore_mem>>
      %dma_start3A = tpu.memref_slice %arg5[%mul3A_0] : memref<20480xf32, #tpu.memory_space<hbm>> -> memref<1280xf32, #tpu.memory_space<hbm>>
      %dma_start3A_147 = tpu.memref_slice %arg5[%mul3A_0] : memref<20480xf32, #tpu.memory_space<hbm>> -> memref<1280xf32, #tpu.memory_space<hbm>>
      tpu.enqueue_dma source(%dma_start3A_147 : memref<1280xf32, #tpu.memory_space<hbm>>) target(%arg11 : memref<1280xf32, #tpu.memory_space<vmem>>) target_semaphore(%run_scoped3A : memref<!tpu.dma_semaphore, #tpu.memory_space<semaphore_mem>>)
      %dma_wait3A = tpu.memref_slice %arg5[%mul3A_0] : memref<20480xf32, #tpu.memory_space<hbm>> -> memref<1280xf32, #tpu.memory_space<hbm>>
      %dma_wait3A_148 = tpu.memref_slice %arg5[%mul3A_0] : memref<20480xf32, #tpu.memory_space<hbm>> -> memref<1280xf32, #tpu.memory_space<hbm>>
      tpu.wait_dma2 semaphore(%run_scoped3A : memref<!tpu.dma_semaphore, #tpu.memory_space<semaphore_mem>>) src(%dma_wait3A_148 : memref<1280xf32, #tpu.memory_space<hbm>>) dst(%arg11 : memref<1280xf32, #tpu.memory_space<vmem>>)
      tpu.yield
    }) : () -> ()
    "tpu.region"() ({
      %run_scoped3A = tpu.sem_alloc : memref<!tpu.dma_semaphore, #tpu.memory_space<semaphore_mem>>
      %dma_start3A = tpu.memref_slice %arg6[%mul3A_0] : memref<20480xf32, #tpu.memory_space<hbm>> -> memref<1280xf32, #tpu.memory_space<hbm>>
      %dma_start3A_147 = tpu.memref_slice %arg6[%mul3A_0] : memref<20480xf32, #tpu.memory_space<hbm>> -> memref<1280xf32, #tpu.memory_space<hbm>>
      tpu.enqueue_dma source(%dma_start3A_147 : memref<1280xf32, #tpu.memory_space<hbm>>) target(%arg13 : memref<1280xf32, #tpu.memory_space<vmem>>) target_semaphore(%run_scoped3A : memref<!tpu.dma_semaphore, #tpu.memory_space<semaphore_mem>>)
      %dma_wait3A = tpu.memref_slice %arg6[%mul3A_0] : memref<20480xf32, #tpu.memory_space<hbm>> -> memref<1280xf32, #tpu.memory_space<hbm>>
      %dma_wait3A_148 = tpu.memref_slice %arg6[%mul3A_0] : memref<20480xf32, #tpu.memory_space<hbm>> -> memref<1280xf32, #tpu.memory_space<hbm>>
      tpu.wait_dma2 semaphore(%run_scoped3A : memref<!tpu.dma_semaphore, #tpu.memory_space<semaphore_mem>>) src(%dma_wait3A_148 : memref<1280xf32, #tpu.memory_space<hbm>>) dst(%arg13 : memref<1280xf32, #tpu.memory_space<vmem>>)
      tpu.yield
    }) : () -> ()
    "tpu.region"() ({
      %run_scoped3A = tpu.sem_alloc : memref<!tpu.dma_semaphore, #tpu.memory_space<semaphore_mem>>
      %dma_start3A = tpu.memref_slice %arg6[%mul3A_0] : memref<20480xf32, #tpu.memory_space<hbm>> -> memref<1280xf32, #tpu.memory_space<hbm>>
      %dma_start3A_147 = tpu.memref_slice %arg6[%mul3A_0] : memref<20480xf32, #tpu.memory_space<hbm>> -> memref<1280xf32, #tpu.memory_space<hbm>>
      tpu.enqueue_dma source(%dma_start3A_147 : memref<1280xf32, #tpu.memory_space<hbm>>) target(%arg14 : memref<1280xf32, #tpu.memory_space<vmem>>) target_semaphore(%run_scoped3A : memref<!tpu.dma_semaphore, #tpu.memory_space<semaphore_mem>>)
      %dma_wait3A = tpu.memref_slice %arg6[%mul3A_0] : memref<20480xf32, #tpu.memory_space<hbm>> -> memref<1280xf32, #tpu.memory_space<hbm>>
      %dma_wait3A_148 = tpu.memref_slice %arg6[%mul3A_0] : memref<20480xf32, #tpu.memory_space<hbm>> -> memref<1280xf32, #tpu.memory_space<hbm>>
      tpu.wait_dma2 semaphore(%run_scoped3A : memref<!tpu.dma_semaphore, #tpu.memory_space<semaphore_mem>>) src(%dma_wait3A_148 : memref<1280xf32, #tpu.memory_space<hbm>>) dst(%arg14 : memref<1280xf32, #tpu.memory_space<vmem>>)
      tpu.yield
    }) : () -> ()
    %iota3A = tpu.iota {dimensions = array<i32: 0>} : vector<16xi32>
    %broadcast_in_dim3A = arith.constant -1.000000e+30 : f32
    %broadcast_in_dim3A_1 = vector.broadcast %broadcast_in_dim3A : f32 to vector<16xf32>
    %broadcast_in_dim3A_2 = arith.constant 0 : i32
    %broadcast_in_dim3A_3 = vector.broadcast %broadcast_in_dim3A_2 : i32 to vector<16xi32>
    %parallel_loop3A = arith.constant 0 : i32
    %parallel_loop3A_4 = arith.constant 80 : i32
    %parallel_loop3A_5 = arith.constant 1 : i32
    %parallel_loop3A_6:2 = scf.for %parallel_loop3A_147 = %parallel_loop3A to %parallel_loop3A_4 step %parallel_loop3A_5 iter_args(%parallel_loop3A_148 = %broadcast_in_dim3A_1, %parallel_loop3A_149 = %broadcast_in_dim3A_3) -> (vector<16xf32>, vector<16xi32>)  : i32 {
      %parallel_loop3A_150 = arith.constant 16 : i32
      %parallel_loop3A_151 = arith.muli %parallel_loop3A_147, %parallel_loop3A_150 : i32
      %parallel_loop3A_152 = arith.index_cast %parallel_loop3A_151 : i32 to index
      %parallel_loop3A_153 = tpu.vector_load %arg10[%parallel_loop3A_152] {strides = array<i32>} : memref<1280xf32, #tpu.memory_space<vmem>>, vector<16xf32>,
      %parallel_loop3A_154 = arith.index_cast %parallel_loop3A_151 : i32 to index
      %parallel_loop3A_155 = tpu.vector_load %arg8[%parallel_loop3A_154] {strides = array<i32>} : memref<1280xf32, #tpu.memory_space<vmem>>, vector<16xf32>,
      %parallel_loop3A_156 = arith.subf %parallel_loop3A_153, %parallel_loop3A_155 : vector<16xf32>
      %parallel_loop3A_157 = arith.constant 0.000000e+00 : f32
      %parallel_loop3A_158 = vector.broadcast %parallel_loop3A_157 : f32 to vector<16xf32>
      %parallel_loop3A_159 = arith.maximumf %parallel_loop3A_156, %parallel_loop3A_158 : vector<16xf32>
      %parallel_loop3A_160 = arith.index_cast %parallel_loop3A_151 : i32 to index
      %parallel_loop3A_161 = tpu.vector_load %arg11[%parallel_loop3A_160] {strides = array<i32>} : memref<1280xf32, #tpu.memory_space<vmem>>, vector<16xf32>,
      %parallel_loop3A_162 = arith.index_cast %parallel_loop3A_151 : i32 to index
      %parallel_loop3A_163 = tpu.vector_load %arg9[%parallel_loop3A_162] {strides = array<i32>} : memref<1280xf32, #tpu.memory_space<vmem>>, vector<16xf32>,
      %parallel_loop3A_164 = arith.subf %parallel_loop3A_161, %parallel_loop3A_163 : vector<16xf32>
      %parallel_loop3A_165 = arith.constant 0.000000e+00 : f32
      %parallel_loop3A_166 = vector.broadcast %parallel_loop3A_165 : f32 to vector<16xf32>
      %parallel_loop3A_167 = arith.maximumf %parallel_loop3A_164, %parallel_loop3A_166 : vector<16xf32>
      %parallel_loop3A_168 = arith.mulf %parallel_loop3A_159, %parallel_loop3A_167 : vector<16xf32>
      %parallel_loop3A_169 = arith.index_cast %parallel_loop3A_151 : i32 to index
      %parallel_loop3A_170 = tpu.vector_load %arg12[%parallel_loop3A_169] {strides = array<i32>} : memref<1280xf32, #tpu.memory_space<vmem>>, vector<16xf32>,
      tpu.vector_store %arg12[%parallel_loop3A_169], %parallel_loop3A_168 {strides = array<i32>} : memref<1280xf32, #tpu.memory_space<vmem>>, vector<16xf32>,
      %parallel_loop3A_171 = arith.index_cast %parallel_loop3A_151 : i32 to index
      %parallel_loop3A_172 = tpu.vector_load %arg14[%parallel_loop3A_171] {strides = array<i32>} : memref<1280xf32, #tpu.memory_space<vmem>>, vector<16xf32>,
      %parallel_loop3A_173 = arith.cmpf ogt, %parallel_loop3A_172, %parallel_loop3A_148 : vector<16xf32>
      %parallel_loop3A_174 = arith.select %parallel_loop3A_173, %parallel_loop3A_172, %parallel_loop3A_148 : vector<16xi1>, vector<16xf32>
      %parallel_loop3A_175 = vector.broadcast %parallel_loop3A_147 : i32 to vector<16xi32>
      %parallel_loop3A_176 = arith.select %parallel_loop3A_173, %parallel_loop3A_175, %parallel_loop3A_149 : vector<16xi1>, vector<16xi32>
      scf.yield %parallel_loop3A_174, %parallel_loop3A_176 : vector<16xf32>, vector<16xi32>
    } {sc.loop_unroll_factor = 4 : i64, sc.parallel_access}
    %xor3A = arith.constant 1 : i32
    %xor3A_7 = vector.broadcast %xor3A : i32 to vector<16xi32>
    %xor3A_8 = arith.xori %iota3A, %xor3A_7 : vector<16xi32>
    %broadcast_in_dim3A_9 = vector.shape_cast %xor3A_8 : vector<16xi32> to vector<16x1xi32>
    %gather3A = vector.shape_cast %broadcast_in_dim3A_9 : vector<16x1xi32> to vector<16xi32>
    %gather3A_10 = tpu.dynamic_gather %parallel_loop3A_6#0[%gather3A] in [0] : vector<16xf32>, vector<16xi32> -> vector<16xf32>
    %max3A = arith.maximumf %parallel_loop3A_6#0, %gather3A_10 : vector<16xf32>
    %xor3A_11 = arith.constant 2 : i32
    %xor3A_12 = vector.broadcast %xor3A_11 : i32 to vector<16xi32>
    %xor3A_13 = arith.xori %iota3A, %xor3A_12 : vector<16xi32>
    %broadcast_in_dim3A_14 = vector.shape_cast %xor3A_13 : vector<16xi32> to vector<16x1xi32>
    %gather3A_15 = vector.shape_cast %broadcast_in_dim3A_14 : vector<16x1xi32> to vector<16xi32>
    %gather3A_16 = tpu.dynamic_gather %max3A[%gather3A_15] in [0] : vector<16xf32>, vector<16xi32> -> vector<16xf32>
    %max3A_17 = arith.maximumf %max3A, %gather3A_16 : vector<16xf32>
    %xor3A_18 = arith.constant 4 : i32
    %xor3A_19 = vector.broadcast %xor3A_18 : i32 to vector<16xi32>
    %xor3A_20 = arith.xori %iota3A, %xor3A_19 : vector<16xi32>
    %broadcast_in_dim3A_21 = vector.shape_cast %xor3A_20 : vector<16xi32> to vector<16x1xi32>
    %gather3A_22 = vector.shape_cast %broadcast_in_dim3A_21 : vector<16x1xi32> to vector<16xi32>
    %gather3A_23 = tpu.dynamic_gather %max3A_17[%gather3A_22] in [0] : vector<16xf32>, vector<16xi32> -> vector<16xf32>
    %max3A_24 = arith.maximumf %max3A_17, %gather3A_23 : vector<16xf32>
    %xor3A_25 = arith.constant 8 : i32
    %xor3A_26 = vector.broadcast %xor3A_25 : i32 to vector<16xi32>
    %xor3A_27 = arith.xori %iota3A, %xor3A_26 : vector<16xi32>
    %broadcast_in_dim3A_28 = vector.shape_cast %xor3A_27 : vector<16xi32> to vector<16x1xi32>
    %gather3A_29 = vector.shape_cast %broadcast_in_dim3A_28 : vector<16x1xi32> to vector<16xi32>
    %gather3A_30 = tpu.dynamic_gather %max3A_24[%gather3A_29] in [0] : vector<16xf32>, vector<16xi32> -> vector<16xf32>
    %max3A_31 = arith.maximumf %max3A_24, %gather3A_30 : vector<16xf32>
    %eq3A = arith.cmpf oeq, %parallel_loop3A_6#0, %max3A_31 : vector<16xf32>
    %jit3A = arith.constant 16 : i32
    %broadcast_in_dim3A_32 = vector.broadcast %jit3A : i32 to vector<16xi32>
    %select_n3A = arith.select %eq3A, %iota3A, %broadcast_in_dim3A_32 : vector<16xi1>, vector<16xi32>
    %xor3A_33 = arith.constant 1 : i32
    %xor3A_34 = vector.broadcast %xor3A_33 : i32 to vector<16xi32>
    %xor3A_35 = arith.xori %iota3A, %xor3A_34 : vector<16xi32>
    %broadcast_in_dim3A_36 = vector.shape_cast %xor3A_35 : vector<16xi32> to vector<16x1xi32>
    %gather3A_37 = vector.shape_cast %broadcast_in_dim3A_36 : vector<16x1xi32> to vector<16xi32>
    %gather3A_38 = tpu.dynamic_gather %select_n3A[%gather3A_37] in [0] : vector<16xi32>, vector<16xi32> -> vector<16xi32>
    %min3A = arith.minsi %select_n3A, %gather3A_38 : vector<16xi32>
    %xor3A_39 = arith.constant 2 : i32
    %xor3A_40 = vector.broadcast %xor3A_39 : i32 to vector<16xi32>
    %xor3A_41 = arith.xori %iota3A, %xor3A_40 : vector<16xi32>
    %broadcast_in_dim3A_42 = vector.shape_cast %xor3A_41 : vector<16xi32> to vector<16x1xi32>
    %gather3A_43 = vector.shape_cast %broadcast_in_dim3A_42 : vector<16x1xi32> to vector<16xi32>
    %gather3A_44 = tpu.dynamic_gather %min3A[%gather3A_43] in [0] : vector<16xi32>, vector<16xi32> -> vector<16xi32>
    %min3A_45 = arith.minsi %min3A, %gather3A_44 : vector<16xi32>
    %xor3A_46 = arith.constant 4 : i32
    %xor3A_47 = vector.broadcast %xor3A_46 : i32 to vector<16xi32>
    %xor3A_48 = arith.xori %iota3A, %xor3A_47 : vector<16xi32>
    %broadcast_in_dim3A_49 = vector.shape_cast %xor3A_48 : vector<16xi32> to vector<16x1xi32>
    %gather3A_50 = vector.shape_cast %broadcast_in_dim3A_49 : vector<16x1xi32> to vector<16xi32>
    %gather3A_51 = tpu.dynamic_gather %min3A_45[%gather3A_50] in [0] : vector<16xi32>, vector<16xi32> -> vector<16xi32>
    %min3A_52 = arith.minsi %min3A_45, %gather3A_51 : vector<16xi32>
    %xor3A_53 = arith.constant 8 : i32
    %xor3A_54 = vector.broadcast %xor3A_53 : i32 to vector<16xi32>
    %xor3A_55 = arith.xori %iota3A, %xor3A_54 : vector<16xi32>
    %broadcast_in_dim3A_56 = vector.shape_cast %xor3A_55 : vector<16xi32> to vector<16x1xi32>
    %gather3A_57 = vector.shape_cast %broadcast_in_dim3A_56 : vector<16x1xi32> to vector<16xi32>
    %gather3A_58 = tpu.dynamic_gather %min3A_52[%gather3A_57] in [0] : vector<16xi32>, vector<16xi32> -> vector<16xi32>
    %min3A_59 = arith.minsi %min3A_52, %gather3A_58 : vector<16xi32>
    %eq3A_60 = arith.cmpi eq, %iota3A, %min3A_59 : vector<16xi32>
    %jit3A_61 = arith.constant 0 : i32
    %broadcast_in_dim3A_62 = vector.broadcast %jit3A_61 : i32 to vector<16xi32>
    %select_n3A_63 = arith.select %eq3A_60, %parallel_loop3A_6#1, %broadcast_in_dim3A_62 : vector<16xi1>, vector<16xi32>
    %xor3A_64 = arith.constant 1 : i32
    %xor3A_65 = vector.broadcast %xor3A_64 : i32 to vector<16xi32>
    %xor3A_66 = arith.xori %iota3A, %xor3A_65 : vector<16xi32>
    %broadcast_in_dim3A_67 = vector.shape_cast %xor3A_66 : vector<16xi32> to vector<16x1xi32>
    %gather3A_68 = vector.shape_cast %broadcast_in_dim3A_67 : vector<16x1xi32> to vector<16xi32>
    %gather3A_69 = tpu.dynamic_gather %select_n3A_63[%gather3A_68] in [0] : vector<16xi32>, vector<16xi32> -> vector<16xi32>
    %max3A_70 = arith.maxsi %select_n3A_63, %gather3A_69 : vector<16xi32>
    %xor3A_71 = arith.constant 2 : i32
    %xor3A_72 = vector.broadcast %xor3A_71 : i32 to vector<16xi32>
    %xor3A_73 = arith.xori %iota3A, %xor3A_72 : vector<16xi32>
    %broadcast_in_dim3A_74 = vector.shape_cast %xor3A_73 : vector<16xi32> to vector<16x1xi32>
    %gather3A_75 = vector.shape_cast %broadcast_in_dim3A_74 : vector<16x1xi32> to vector<16xi32>
    %gather3A_76 = tpu.dynamic_gather %max3A_70[%gather3A_75] in [0] : vector<16xi32>, vector<16xi32> -> vector<16xi32>
    %max3A_77 = arith.maxsi %max3A_70, %gather3A_76 : vector<16xi32>
    %xor3A_78 = arith.constant 4 : i32
    %xor3A_79 = vector.broadcast %xor3A_78 : i32 to vector<16xi32>
    %xor3A_80 = arith.xori %iota3A, %xor3A_79 : vector<16xi32>
    %broadcast_in_dim3A_81 = vector.shape_cast %xor3A_80 : vector<16xi32> to vector<16x1xi32>
    %gather3A_82 = vector.shape_cast %broadcast_in_dim3A_81 : vector<16x1xi32> to vector<16xi32>
    %gather3A_83 = tpu.dynamic_gather %max3A_77[%gather3A_82] in [0] : vector<16xi32>, vector<16xi32> -> vector<16xi32>
    %max3A_84 = arith.maxsi %max3A_77, %gather3A_83 : vector<16xi32>
    %xor3A_85 = arith.constant 8 : i32
    %xor3A_86 = vector.broadcast %xor3A_85 : i32 to vector<16xi32>
    %xor3A_87 = arith.xori %iota3A, %xor3A_86 : vector<16xi32>
    %broadcast_in_dim3A_88 = vector.shape_cast %xor3A_87 : vector<16xi32> to vector<16x1xi32>
    %gather3A_89 = vector.shape_cast %broadcast_in_dim3A_88 : vector<16x1xi32> to vector<16xi32>
    %gather3A_90 = tpu.dynamic_gather %max3A_84[%gather3A_89] in [0] : vector<16xi32>, vector<16xi32> -> vector<16xi32>
    %max3A_91 = arith.maxsi %max3A_84, %gather3A_90 : vector<16xi32>
    %mul3A_92 = arith.constant 16 : i32
    %mul3A_93 = vector.broadcast %mul3A_92 : i32 to vector<16xi32>
    %mul3A_94 = arith.muli %max3A_91, %mul3A_93 : vector<16xi32>
    %add3A = arith.addi %mul3A_94, %min3A_59 : vector<16xi32>
    %gather3A_95 = tpu.vector_load_idx %arg8[%add3A] : memref<1280xf32, #tpu.memory_space<vmem>>[vector<16xi32>], vector<16xf32>,
    %gather3A_96 = tpu.vector_load_idx %arg9[%add3A] : memref<1280xf32, #tpu.memory_space<vmem>>[vector<16xi32>], vector<16xf32>,
    %gather3A_97 = tpu.vector_load_idx %arg10[%add3A] : memref<1280xf32, #tpu.memory_space<vmem>>[vector<16xi32>], vector<16xf32>,
    %gather3A_98 = tpu.vector_load_idx %arg11[%add3A] : memref<1280xf32, #tpu.memory_space<vmem>>[vector<16xi32>], vector<16xf32>,
    %gather3A_99 = tpu.vector_load_idx %arg12[%add3A] : memref<1280xf32, #tpu.memory_space<vmem>>[vector<16xi32>], vector<16xf32>,
    %gather3A_100 = tpu.vector_load_idx %arg13[%add3A] : memref<1280xf32, #tpu.memory_space<vmem>>[vector<16xi32>], vector<16xf32>,
    %eq3A_101 = arith.constant 0 : i32
    %eq3A_102 = vector.broadcast %eq3A_101 : i32 to vector<16xi32>
    %eq3A_103 = arith.cmpi eq, %iota3A, %eq3A_102 : vector<16xi32>
    %eq3A_104 = arith.constant 1 : i32
    %eq3A_105 = vector.broadcast %eq3A_104 : i32 to vector<16xi32>
    %eq3A_106 = arith.cmpi eq, %iota3A, %eq3A_105 : vector<16xi32>
    %eq3A_107 = arith.constant 2 : i32
    %eq3A_108 = vector.broadcast %eq3A_107 : i32 to vector<16xi32>
    %eq3A_109 = arith.cmpi eq, %iota3A, %eq3A_108 : vector<16xi32>
    %eq3A_110 = arith.constant 3 : i32
    %eq3A_111 = vector.broadcast %eq3A_110 : i32 to vector<16xi32>
    %eq3A_112 = arith.cmpi eq, %iota3A, %eq3A_111 : vector<16xi32>
    %eq3A_113 = arith.constant 4 : i32
    %eq3A_114 = vector.broadcast %eq3A_113 : i32 to vector<16xi32>
    %eq3A_115 = arith.cmpi eq, %iota3A, %eq3A_114 : vector<16xi32>
    %eq3A_116 = arith.constant 5 : i32
    %eq3A_117 = vector.broadcast %eq3A_116 : i32 to vector<16xi32>
    %eq3A_118 = arith.cmpi eq, %iota3A, %eq3A_117 : vector<16xi32>
    %eq3A_119 = arith.constant 6 : i32
    %eq3A_120 = vector.broadcast %eq3A_119 : i32 to vector<16xi32>
    %eq3A_121 = arith.cmpi eq, %iota3A, %eq3A_120 : vector<16xi32>
    %jit3A_122 = arith.constant 0.000000e+00 : f32
    %broadcast_in_dim3A_123 = vector.broadcast %jit3A_122 : f32 to vector<16xf32>
    %select_n3A_124 = arith.select %eq3A_121, %gather3A_100, %broadcast_in_dim3A_123 : vector<16xi1>, vector<16xf32>
    %select_n3A_125 = arith.select %eq3A_118, %gather3A_99, %select_n3A_124 : vector<16xi1>, vector<16xf32>
    %select_n3A_126 = arith.select %eq3A_115, %gather3A_98, %select_n3A_125 : vector<16xi1>, vector<16xf32>
    %select_n3A_127 = arith.select %eq3A_112, %gather3A_97, %select_n3A_126 : vector<16xi1>, vector<16xf32>
    %select_n3A_128 = arith.select %eq3A_109, %gather3A_96, %select_n3A_127 : vector<16xi1>, vector<16xf32>
    %select_n3A_129 = arith.select %eq3A_106, %gather3A_95, %select_n3A_128 : vector<16xi1>, vector<16xf32>
    %select_n3A_130 = arith.select %eq3A_103, %max3A_31, %select_n3A_129 : vector<16xi1>, vector<16xf32>
    %swap3A = arith.constant 0 : index
    %swap3A_131 = tpu.vector_load %arg15[%swap3A] {strides = array<i32>} : memref<16xf32, #tpu.memory_space<vmem>>, vector<16xf32>,
    tpu.vector_store %arg15[%swap3A], %select_n3A_130 {strides = array<i32>} : memref<16xf32, #tpu.memory_space<vmem>>, vector<16xf32>,
    %mul3A_132 = arith.constant 16 : i32
    %mul3A_133 = arith.muli %arg1, %mul3A_132 : i32
    %add3A_134 = arith.constant 0 : i32
    %add3A_135 = arith.addi %add3A_134, %mul3A_133 : i32
    "tpu.region"() ({
      %run_scoped3A = tpu.sem_alloc : memref<!tpu.dma_semaphore, #tpu.memory_space<semaphore_mem>>
      %dma_start3A = tpu.memref_slice %arg18[%add3A_135] : memref<512xf32, #tpu.memory_space<vmem_shared>> -> memref<16xf32, #tpu.memory_space<vmem_shared>>
      %dma_start3A_147 = tpu.memref_slice %arg18[%add3A_135] : memref<512xf32, #tpu.memory_space<vmem_shared>> -> memref<16xf32, #tpu.memory_space<vmem_shared>>
      tpu.enqueue_dma source(%arg15 : memref<16xf32, #tpu.memory_space<vmem>>) target(%dma_start3A_147 : memref<16xf32, #tpu.memory_space<vmem_shared>>) target_semaphore(%run_scoped3A : memref<!tpu.dma_semaphore, #tpu.memory_space<semaphore_mem>>)
      %dma_wait3A = tpu.memref_slice %arg18[%add3A_135] : memref<512xf32, #tpu.memory_space<vmem_shared>> -> memref<16xf32, #tpu.memory_space<vmem_shared>>
      %dma_wait3A_148 = tpu.memref_slice %arg18[%add3A_135] : memref<512xf32, #tpu.memory_space<vmem_shared>> -> memref<16xf32, #tpu.memory_space<vmem_shared>>
      tpu.wait_dma2 semaphore(%run_scoped3A : memref<!tpu.dma_semaphore, #tpu.memory_space<semaphore_mem>>) src(%arg15 : memref<16xf32, #tpu.memory_space<vmem>>) dst(%dma_wait3A_148 : memref<16xf32, #tpu.memory_space<vmem_shared>>)
      tpu.yield
    }) : () -> ()
    %barrier3A = arith.constant 0 : index
    tpu.barrier barrier_id(%barrier3A)
    %scan3A = arith.constant 0 : i32
    %scan3A_136 = arith.constant 0 : i32
    %scan3A_137 = arith.constant 40 : i32
    %scan3A_138 = arith.addi %scan3A_136, %scan3A_137 : i32
    %scan3A_139 = arith.constant 1 : i32
    %scan3A_140 = scf.for %scan3A_147 = %scan3A_136 to %scan3A_138 step %scan3A_139 iter_args(%scan3A_148 = %scan3A) -> (i32)  : i32 {
      %and3A_149 = arith.constant 1 : i32
      %and3A_150 = arith.andi %scan3A_147, %and3A_149 : i32
      %mul3A_151 = arith.constant 256 : i32
      %mul3A_152 = arith.muli %and3A_150, %mul3A_151 : i32
      "tpu.region"() ({
        %run_scoped3A = tpu.sem_alloc : memref<!tpu.dma_semaphore, #tpu.memory_space<semaphore_mem>>
        %dma_start3A = tpu.memref_slice %arg18[%mul3A_152] : memref<512xf32, #tpu.memory_space<vmem_shared>> -> memref<256xf32, #tpu.memory_space<vmem_shared>>
        %dma_start3A_429 = tpu.memref_slice %arg18[%mul3A_152] : memref<512xf32, #tpu.memory_space<vmem_shared>> -> memref<256xf32, #tpu.memory_space<vmem_shared>>
        tpu.enqueue_dma source(%dma_start3A_429 : memref<256xf32, #tpu.memory_space<vmem_shared>>) target(%arg16 : memref<256xf32, #tpu.memory_space<vmem>>) target_semaphore(%run_scoped3A : memref<!tpu.dma_semaphore, #tpu.memory_space<semaphore_mem>>)
        %dma_wait3A = tpu.memref_slice %arg18[%mul3A_152] : memref<512xf32, #tpu.memory_space<vmem_shared>> -> memref<256xf32, #tpu.memory_space<vmem_shared>>
        %dma_wait3A_430 = tpu.memref_slice %arg18[%mul3A_152] : memref<512xf32, #tpu.memory_space<vmem_shared>> -> memref<256xf32, #tpu.memory_space<vmem_shared>>
        tpu.wait_dma2 semaphore(%run_scoped3A : memref<!tpu.dma_semaphore, #tpu.memory_space<semaphore_mem>>) src(%dma_wait3A_430 : memref<256xf32, #tpu.memory_space<vmem_shared>>) dst(%arg16 : memref<256xf32, #tpu.memory_space<vmem>>)
        tpu.yield
      }) : () -> ()
      %mul3A_153 = arith.constant 16 : i32
      %mul3A_154 = vector.broadcast %mul3A_153 : i32 to vector<16xi32>
      %mul3A_155 = arith.muli %iota3A, %mul3A_154 : vector<16xi32>
      %gather3A_156 = tpu.vector_load_idx %arg16[%mul3A_155] : memref<256xf32, #tpu.memory_space<vmem>>[vector<16xi32>], vector<16xf32>,
      %xor3A_157 = arith.constant 1 : i32
      %xor3A_158 = vector.broadcast %xor3A_157 : i32 to vector<16xi32>
      %xor3A_159 = arith.xori %iota3A, %xor3A_158 : vector<16xi32>
      %broadcast_in_dim3A_160 = vector.shape_cast %xor3A_159 : vector<16xi32> to vector<16x1xi32>
      %gather3A_161 = vector.shape_cast %broadcast_in_dim3A_160 : vector<16x1xi32> to vector<16xi32>
      %gather3A_162 = tpu.dynamic_gather %gather3A_156[%gather3A_161] in [0] : vector<16xf32>, vector<16xi32> -> vector<16xf32>
      %max3A_163 = arith.maximumf %gather3A_156, %gather3A_162 : vector<16xf32>
      %xor3A_164 = arith.constant 2 : i32
      %xor3A_165 = vector.broadcast %xor3A_164 : i32 to vector<16xi32>
      %xor3A_166 = arith.xori %iota3A, %xor3A_165 : vector<16xi32>
      %broadcast_in_dim3A_167 = vector.shape_cast %xor3A_166 : vector<16xi32> to vector<16x1xi32>
      %gather3A_168 = vector.shape_cast %broadcast_in_dim3A_167 : vector<16x1xi32> to vector<16xi32>
      %gather3A_169 = tpu.dynamic_gather %max3A_163[%gather3A_168] in [0] : vector<16xf32>, vector<16xi32> -> vector<16xf32>
      %max3A_170 = arith.maximumf %max3A_163, %gather3A_169 : vector<16xf32>
      %xor3A_171 = arith.constant 4 : i32
      %xor3A_172 = vector.broadcast %xor3A_171 : i32 to vector<16xi32>
      %xor3A_173 = arith.xori %iota3A, %xor3A_172 : vector<16xi32>
      %broadcast_in_dim3A_174 = vector.shape_cast %xor3A_173 : vector<16xi32> to vector<16x1xi32>
      %gather3A_175 = vector.shape_cast %broadcast_in_dim3A_174 : vector<16x1xi32> to vector<16xi32>
      %gather3A_176 = tpu.dynamic_gather %max3A_170[%gather3A_175] in [0] : vector<16xf32>, vector<16xi32> -> vector<16xf32>
      %max3A_177 = arith.maximumf %max3A_170, %gather3A_176 : vector<16xf32>
      %xor3A_178 = arith.constant 8 : i32
      %xor3A_179 = vector.broadcast %xor3A_178 : i32 to vector<16xi32>
      %xor3A_180 = arith.xori %iota3A, %xor3A_179 : vector<16xi32>
      %broadcast_in_dim3A_181 = vector.shape_cast %xor3A_180 : vector<16xi32> to vector<16x1xi32>
      %gather3A_182 = vector.shape_cast %broadcast_in_dim3A_181 : vector<16x1xi32> to vector<16xi32>
      %gather3A_183 = tpu.dynamic_gather %max3A_177[%gather3A_182] in [0] : vector<16xf32>, vector<16xi32> -> vector<16xf32>
      %max3A_184 = arith.maximumf %max3A_177, %gather3A_183 : vector<16xf32>
      %eq3A_185 = arith.cmpf oeq, %gather3A_156, %max3A_184 : vector<16xf32>
      %jit3A_186 = arith.constant 16 : i32
      %broadcast_in_dim3A_187 = vector.broadcast %jit3A_186 : i32 to vector<16xi32>
      %select_n3A_188 = arith.select %eq3A_185, %iota3A, %broadcast_in_dim3A_187 : vector<16xi1>, vector<16xi32>
      %xor3A_189 = arith.constant 1 : i32
      %xor3A_190 = vector.broadcast %xor3A_189 : i32 to vector<16xi32>
      %xor3A_191 = arith.xori %iota3A, %xor3A_190 : vector<16xi32>
      %broadcast_in_dim3A_192 = vector.shape_cast %xor3A_191 : vector<16xi32> to vector<16x1xi32>
      %gather3A_193 = vector.shape_cast %broadcast_in_dim3A_192 : vector<16x1xi32> to vector<16xi32>
      %gather3A_194 = tpu.dynamic_gather %select_n3A_188[%gather3A_193] in [0] : vector<16xi32>, vector<16xi32> -> vector<16xi32>
      %min3A_195 = arith.minsi %select_n3A_188, %gather3A_194 : vector<16xi32>
      %xor3A_196 = arith.constant 2 : i32
      %xor3A_197 = vector.broadcast %xor3A_196 : i32 to vector<16xi32>
      %xor3A_198 = arith.xori %iota3A, %xor3A_197 : vector<16xi32>
      %broadcast_in_dim3A_199 = vector.shape_cast %xor3A_198 : vector<16xi32> to vector<16x1xi32>
      %gather3A_200 = vector.shape_cast %broadcast_in_dim3A_199 : vector<16x1xi32> to vector<16xi32>
      %gather3A_201 = tpu.dynamic_gather %min3A_195[%gather3A_200] in [0] : vector<16xi32>, vector<16xi32> -> vector<16xi32>
      %min3A_202 = arith.minsi %min3A_195, %gather3A_201 : vector<16xi32>
      %xor3A_203 = arith.constant 4 : i32
      %xor3A_204 = vector.broadcast %xor3A_203 : i32 to vector<16xi32>
      %xor3A_205 = arith.xori %iota3A, %xor3A_204 : vector<16xi32>
      %broadcast_in_dim3A_206 = vector.shape_cast %xor3A_205 : vector<16xi32> to vector<16x1xi32>
      %gather3A_207 = vector.shape_cast %broadcast_in_dim3A_206 : vector<16x1xi32> to vector<16xi32>
      %gather3A_208 = tpu.dynamic_gather %min3A_202[%gather3A_207] in [0] : vector<16xi32>, vector<16xi32> -> vector<16xi32>
      %min3A_209 = arith.minsi %min3A_202, %gather3A_208 : vector<16xi32>
      %xor3A_210 = arith.constant 8 : i32
      %xor3A_211 = vector.broadcast %xor3A_210 : i32 to vector<16xi32>
      %xor3A_212 = arith.xori %iota3A, %xor3A_211 : vector<16xi32>
      %broadcast_in_dim3A_213 = vector.shape_cast %xor3A_212 : vector<16xi32> to vector<16x1xi32>
      %gather3A_214 = vector.shape_cast %broadcast_in_dim3A_213 : vector<16x1xi32> to vector<16xi32>
      %gather3A_215 = tpu.dynamic_gather %min3A_209[%gather3A_214] in [0] : vector<16xi32>, vector<16xi32> -> vector<16xi32>
      %min3A_216 = arith.minsi %min3A_209, %gather3A_215 : vector<16xi32>
      %mul3A_217 = arith.constant 16 : i32
      %mul3A_218 = vector.broadcast %mul3A_217 : i32 to vector<16xi32>
      %mul3A_219 = arith.muli %min3A_216, %mul3A_218 : vector<16xi32>
      %add3A_220 = arith.constant 1 : i32
      %add3A_221 = vector.broadcast %add3A_220 : i32 to vector<16xi32>
      %add3A_222 = arith.addi %mul3A_219, %add3A_221 : vector<16xi32>
      %gather3A_223 = tpu.vector_load_idx %arg16[%add3A_222] : memref<256xf32, #tpu.memory_space<vmem>>[vector<16xi32>], vector<16xf32>,
      %add3A_224 = arith.constant 2 : i32
      %add3A_225 = vector.broadcast %add3A_224 : i32 to vector<16xi32>
      %add3A_226 = arith.addi %mul3A_219, %add3A_225 : vector<16xi32>
      %gather3A_227 = tpu.vector_load_idx %arg16[%add3A_226] : memref<256xf32, #tpu.memory_space<vmem>>[vector<16xi32>], vector<16xf32>,
      %add3A_228 = arith.constant 3 : i32
      %add3A_229 = vector.broadcast %add3A_228 : i32 to vector<16xi32>
      %add3A_230 = arith.addi %mul3A_219, %add3A_229 : vector<16xi32>
      %gather3A_231 = tpu.vector_load_idx %arg16[%add3A_230] : memref<256xf32, #tpu.memory_space<vmem>>[vector<16xi32>], vector<16xf32>,
      %add3A_232 = arith.constant 4 : i32
      %add3A_233 = vector.broadcast %add3A_232 : i32 to vector<16xi32>
      %add3A_234 = arith.addi %mul3A_219, %add3A_233 : vector<16xi32>
      %gather3A_235 = tpu.vector_load_idx %arg16[%add3A_234] : memref<256xf32, #tpu.memory_space<vmem>>[vector<16xi32>], vector<16xf32>,
      %add3A_236 = arith.constant 5 : i32
      %add3A_237 = vector.broadcast %add3A_236 : i32 to vector<16xi32>
      %add3A_238 = arith.addi %mul3A_219, %add3A_237 : vector<16xi32>
      %gather3A_239 = tpu.vector_load_idx %arg16[%add3A_238] : memref<256xf32, #tpu.memory_space<vmem>>[vector<16xi32>], vector<16xf32>,
      %add3A_240 = arith.constant 6 : i32
      %add3A_241 = vector.broadcast %add3A_240 : i32 to vector<16xi32>
      %add3A_242 = arith.addi %mul3A_219, %add3A_241 : vector<16xi32>
      %gather3A_243 = tpu.vector_load_idx %arg16[%add3A_242] : memref<256xf32, #tpu.memory_space<vmem>>[vector<16xi32>], vector<16xf32>,
      %eq3A_244 = arith.constant 0 : i32
      %eq3A_245 = vector.broadcast %eq3A_244 : i32 to vector<16xi32>
      %eq3A_246 = arith.cmpi eq, %iota3A, %eq3A_245 : vector<16xi32>
      %eq3A_247 = arith.constant 1 : i32
      %eq3A_248 = vector.broadcast %eq3A_247 : i32 to vector<16xi32>
      %eq3A_249 = arith.cmpi eq, %iota3A, %eq3A_248 : vector<16xi32>
      %eq3A_250 = arith.constant 2 : i32
      %eq3A_251 = vector.broadcast %eq3A_250 : i32 to vector<16xi32>
      %eq3A_252 = arith.cmpi eq, %iota3A, %eq3A_251 : vector<16xi32>
      %eq3A_253 = arith.constant 3 : i32
      %eq3A_254 = vector.broadcast %eq3A_253 : i32 to vector<16xi32>
      %eq3A_255 = arith.cmpi eq, %iota3A, %eq3A_254 : vector<16xi32>
      %eq3A_256 = arith.constant 4 : i32
      %eq3A_257 = vector.broadcast %eq3A_256 : i32 to vector<16xi32>
      %eq3A_258 = arith.cmpi eq, %iota3A, %eq3A_257 : vector<16xi32>
      %jit3A_259 = arith.constant 0.000000e+00 : f32
      %broadcast_in_dim3A_260 = vector.broadcast %jit3A_259 : f32 to vector<16xf32>
      %select_n3A_261 = arith.select %eq3A_258, %gather3A_243, %broadcast_in_dim3A_260 : vector<16xi1>, vector<16xf32>
      %select_n3A_262 = arith.select %eq3A_255, %gather3A_235, %select_n3A_261 : vector<16xi1>, vector<16xf32>
      %select_n3A_263 = arith.select %eq3A_252, %gather3A_231, %select_n3A_262 : vector<16xi1>, vector<16xf32>
      %select_n3A_264 = arith.select %eq3A_249, %gather3A_227, %select_n3A_263 : vector<16xi1>, vector<16xf32>
      %select_n3A_265 = arith.select %eq3A_246, %gather3A_223, %select_n3A_264 : vector<16xi1>, vector<16xf32>
      %mul3A_266 = arith.constant 16 : i32
      %mul3A_267 = arith.muli %scan3A_147, %mul3A_266 : i32
      %add3A_268 = vector.broadcast %mul3A_267 : i32 to vector<16xi32>
      %add3A_269 = arith.addi %add3A_268, %iota3A : vector<16xi32>
      tpu.vector_store_idx %arg17[%add3A_269], %select_n3A_265 : memref<640xf32, #tpu.memory_space<vmem>>[vector<16xi32>], vector<16xf32>,
      %add3A_270 = arith.constant 9.99999993E-9 : f32
      %add3A_271 = vector.broadcast %add3A_270 : f32 to vector<16xf32>
      %add3A_272 = arith.addf %gather3A_239, %add3A_271 : vector<16xf32>
      %scan3A_273 = arith.constant 0 : i32
      %scan3A_274 = arith.constant 20 : i32
      %scan3A_275 = arith.addi %scan3A_273, %scan3A_274 : i32
      %scan3A_276 = arith.constant 1 : i32
      %scan3A_277:8 = scf.for %scan3A_429 = %scan3A_273 to %scan3A_275 step %scan3A_276 iter_args(%scan3A_430 = %broadcast_in_dim3A_1, %scan3A_431 = %broadcast_in_dim3A_1, %scan3A_432 = %broadcast_in_dim3A_1, %scan3A_433 = %broadcast_in_dim3A_1, %scan3A_434 = %broadcast_in_dim3A_3, %scan3A_435 = %broadcast_in_dim3A_3, %scan3A_436 = %broadcast_in_dim3A_3, %scan3A_437 = %broadcast_in_dim3A_3) -> (vector<16xf32>, vector<16xf32>, vector<16xf32>, vector<16xf32>, vector<16xi32>, vector<16xi32>, vector<16xi32>, vector<16xi32>)  : i32 {
        %mul3A_438 = arith.constant 4 : i32
        %mul3A_439 = arith.muli %scan3A_429, %mul3A_438 : i32
        %add3A_440 = arith.constant 0 : i32
        %add3A_441 = arith.addi %mul3A_439, %add3A_440 : i32
        %mul3A_442 = arith.constant 16 : i32
        %mul3A_443 = arith.muli %add3A_441, %mul3A_442 : i32
        %get3A = arith.index_cast %mul3A_443 : i32 to index
        %get3A_444 = tpu.vector_load %arg8[%get3A] {strides = array<i32>} : memref<1280xf32, #tpu.memory_space<vmem>>, vector<16xf32>,
        %max3A_445 = arith.maximumf %get3A_444, %gather3A_223 : vector<16xf32>
        %get3A_446 = arith.index_cast %mul3A_443 : i32 to index
        %get3A_447 = tpu.vector_load %arg9[%get3A_446] {strides = array<i32>} : memref<1280xf32, #tpu.memory_space<vmem>>, vector<16xf32>,
        %max3A_448 = arith.maximumf %get3A_447, %gather3A_227 : vector<16xf32>
        %get3A_449 = arith.index_cast %mul3A_443 : i32 to index
        %get3A_450 = tpu.vector_load %arg10[%get3A_449] {strides = array<i32>} : memref<1280xf32, #tpu.memory_space<vmem>>, vector<16xf32>,
        %min3A_451 = arith.minimumf %get3A_450, %gather3A_231 : vector<16xf32>
        %get3A_452 = arith.index_cast %mul3A_443 : i32 to index
        %get3A_453 = tpu.vector_load %arg11[%get3A_452] {strides = array<i32>} : memref<1280xf32, #tpu.memory_space<vmem>>, vector<16xf32>,
        %min3A_454 = arith.minimumf %get3A_453, %gather3A_235 : vector<16xf32>
        %sub3A_455 = arith.subf %min3A_451, %max3A_445 : vector<16xf32>
        %max3A_456 = arith.constant 0.000000e+00 : f32
        %max3A_457 = vector.broadcast %max3A_456 : f32 to vector<16xf32>
        %max3A_458 = arith.maximumf %sub3A_455, %max3A_457 : vector<16xf32>
        %sub3A_459 = arith.subf %min3A_454, %max3A_448 : vector<16xf32>
        %max3A_460 = arith.constant 0.000000e+00 : f32
        %max3A_461 = vector.broadcast %max3A_460 : f32 to vector<16xf32>
        %max3A_462 = arith.maximumf %sub3A_459, %max3A_461 : vector<16xf32>
        %mul3A_463 = arith.mulf %max3A_458, %max3A_462 : vector<16xf32>
        %mul3A_464 = arith.constant 3.000000e+00 : f32
        %mul3A_465 = vector.broadcast %mul3A_464 : f32 to vector<16xf32>
        %mul3A_466 = arith.mulf %mul3A_465, %mul3A_463 : vector<16xf32>
        %get3A_467 = arith.index_cast %mul3A_443 : i32 to index
        %get3A_468 = tpu.vector_load %arg12[%get3A_467] {strides = array<i32>} : memref<1280xf32, #tpu.memory_space<vmem>>, vector<16xf32>,
        %add3A_469 = arith.addf %add3A_272, %get3A_468 : vector<16xf32>
        %gt3A_470 = arith.cmpf ogt, %mul3A_466, %add3A_469 : vector<16xf32>
        %get3A_471 = arith.index_cast %mul3A_443 : i32 to index
        %get3A_472 = tpu.vector_load %arg14[%get3A_471] {strides = array<i32>} : memref<1280xf32, #tpu.memory_space<vmem>>, vector<16xf32>,
        %jit3A_473 = arith.constant -1.000000e+30 : f32
        %broadcast_in_dim3A_474 = vector.broadcast %jit3A_473 : f32 to vector<16xf32>
        %select_n3A_475 = arith.select %gt3A_470, %broadcast_in_dim3A_474, %get3A_472 : vector<16xi1>, vector<16xf32>
        %swap3A_476 = arith.index_cast %mul3A_443 : i32 to index
        %swap3A_477 = tpu.vector_load %arg14[%swap3A_476] {strides = array<i32>} : memref<1280xf32, #tpu.memory_space<vmem>>, vector<16xf32>,
        tpu.vector_store %arg14[%swap3A_476], %select_n3A_475 {strides = array<i32>} : memref<1280xf32, #tpu.memory_space<vmem>>, vector<16xf32>,
        %gt3A_478 = arith.cmpf ogt, %select_n3A_475, %scan3A_430 : vector<16xf32>
        %select_n3A_479 = arith.select %gt3A_478, %select_n3A_475, %scan3A_430 : vector<16xi1>, vector<16xf32>
        %add3A_480 = arith.constant 0 : i32
        %add3A_481 = arith.addi %mul3A_439, %add3A_480 : i32
        %broadcast_in_dim3A_482 = vector.broadcast %add3A_481 : i32 to vector<16xi32>
        %select_n3A_483 = arith.select %gt3A_478, %broadcast_in_dim3A_482, %scan3A_434 : vector<16xi1>, vector<16xi32>
        %add3A_484 = arith.constant 1 : i32
        %add3A_485 = arith.addi %mul3A_439, %add3A_484 : i32
        %mul3A_486 = arith.constant 16 : i32
        %mul3A_487 = arith.muli %add3A_485, %mul3A_486 : i32
        %get3A_488 = arith.index_cast %mul3A_487 : i32 to index
        %get3A_489 = tpu.vector_load %arg8[%get3A_488] {strides = array<i32>} : memref<1280xf32, #tpu.memory_space<vmem>>, vector<16xf32>,
        %max3A_490 = arith.maximumf %get3A_489, %gather3A_223 : vector<16xf32>
        %get3A_491 = arith.index_cast %mul3A_487 : i32 to index
        %get3A_492 = tpu.vector_load %arg9[%get3A_491] {strides = array<i32>} : memref<1280xf32, #tpu.memory_space<vmem>>, vector<16xf32>,
        %max3A_493 = arith.maximumf %get3A_492, %gather3A_227 : vector<16xf32>
        %get3A_494 = arith.index_cast %mul3A_487 : i32 to index
        %get3A_495 = tpu.vector_load %arg10[%get3A_494] {strides = array<i32>} : memref<1280xf32, #tpu.memory_space<vmem>>, vector<16xf32>,
        %min3A_496 = arith.minimumf %get3A_495, %gather3A_231 : vector<16xf32>
        %get3A_497 = arith.index_cast %mul3A_487 : i32 to index
        %get3A_498 = tpu.vector_load %arg11[%get3A_497] {strides = array<i32>} : memref<1280xf32, #tpu.memory_space<vmem>>, vector<16xf32>,
        %min3A_499 = arith.minimumf %get3A_498, %gather3A_235 : vector<16xf32>
        %sub3A_500 = arith.subf %min3A_496, %max3A_490 : vector<16xf32>
        %max3A_501 = arith.constant 0.000000e+00 : f32
        %max3A_502 = vector.broadcast %max3A_501 : f32 to vector<16xf32>
        %max3A_503 = arith.maximumf %sub3A_500, %max3A_502 : vector<16xf32>
        %sub3A_504 = arith.subf %min3A_499, %max3A_493 : vector<16xf32>
        %max3A_505 = arith.constant 0.000000e+00 : f32
        %max3A_506 = vector.broadcast %max3A_505 : f32 to vector<16xf32>
        %max3A_507 = arith.maximumf %sub3A_504, %max3A_506 : vector<16xf32>
        %mul3A_508 = arith.mulf %max3A_503, %max3A_507 : vector<16xf32>
        %mul3A_509 = arith.constant 3.000000e+00 : f32
        %mul3A_510 = vector.broadcast %mul3A_509 : f32 to vector<16xf32>
        %mul3A_511 = arith.mulf %mul3A_510, %mul3A_508 : vector<16xf32>
        %get3A_512 = arith.index_cast %mul3A_487 : i32 to index
        %get3A_513 = tpu.vector_load %arg12[%get3A_512] {strides = array<i32>} : memref<1280xf32, #tpu.memory_space<vmem>>, vector<16xf32>,
        %add3A_514 = arith.addf %add3A_272, %get3A_513 : vector<16xf32>
        %gt3A_515 = arith.cmpf ogt, %mul3A_511, %add3A_514 : vector<16xf32>
        %get3A_516 = arith.index_cast %mul3A_487 : i32 to index
        %get3A_517 = tpu.vector_load %arg14[%get3A_516] {strides = array<i32>} : memref<1280xf32, #tpu.memory_space<vmem>>, vector<16xf32>,
        %jit3A_518 = arith.constant -1.000000e+30 : f32
        %broadcast_in_dim3A_519 = vector.broadcast %jit3A_518 : f32 to vector<16xf32>
        %select_n3A_520 = arith.select %gt3A_515, %broadcast_in_dim3A_519, %get3A_517 : vector<16xi1>, vector<16xf32>
        %swap3A_521 = arith.index_cast %mul3A_487 : i32 to index
        %swap3A_522 = tpu.vector_load %arg14[%swap3A_521] {strides = array<i32>} : memref<1280xf32, #tpu.memory_space<vmem>>, vector<16xf32>,
        tpu.vector_store %arg14[%swap3A_521], %select_n3A_520 {strides = array<i32>} : memref<1280xf32, #tpu.memory_space<vmem>>, vector<16xf32>,
        %gt3A_523 = arith.cmpf ogt, %select_n3A_520, %scan3A_431 : vector<16xf32>
        %select_n3A_524 = arith.select %gt3A_523, %select_n3A_520, %scan3A_431 : vector<16xi1>, vector<16xf32>
        %add3A_525 = arith.constant 1 : i32
        %add3A_526 = arith.addi %mul3A_439, %add3A_525 : i32
        %broadcast_in_dim3A_527 = vector.broadcast %add3A_526 : i32 to vector<16xi32>
        %select_n3A_528 = arith.select %gt3A_523, %broadcast_in_dim3A_527, %scan3A_435 : vector<16xi1>, vector<16xi32>
        %add3A_529 = arith.constant 2 : i32
        %add3A_530 = arith.addi %mul3A_439, %add3A_529 : i32
        %mul3A_531 = arith.constant 16 : i32
        %mul3A_532 = arith.muli %add3A_530, %mul3A_531 : i32
        %get3A_533 = arith.index_cast %mul3A_532 : i32 to index
        %get3A_534 = tpu.vector_load %arg8[%get3A_533] {strides = array<i32>} : memref<1280xf32, #tpu.memory_space<vmem>>, vector<16xf32>,
        %max3A_535 = arith.maximumf %get3A_534, %gather3A_223 : vector<16xf32>
        %get3A_536 = arith.index_cast %mul3A_532 : i32 to index
        %get3A_537 = tpu.vector_load %arg9[%get3A_536] {strides = array<i32>} : memref<1280xf32, #tpu.memory_space<vmem>>, vector<16xf32>,
        %max3A_538 = arith.maximumf %get3A_537, %gather3A_227 : vector<16xf32>
        %get3A_539 = arith.index_cast %mul3A_532 : i32 to index
        %get3A_540 = tpu.vector_load %arg10[%get3A_539] {strides = array<i32>} : memref<1280xf32, #tpu.memory_space<vmem>>, vector<16xf32>,
        %min3A_541 = arith.minimumf %get3A_540, %gather3A_231 : vector<16xf32>
        %get3A_542 = arith.index_cast %mul3A_532 : i32 to index
        %get3A_543 = tpu.vector_load %arg11[%get3A_542] {strides = array<i32>} : memref<1280xf32, #tpu.memory_space<vmem>>, vector<16xf32>,
        %min3A_544 = arith.minimumf %get3A_543, %gather3A_235 : vector<16xf32>
        %sub3A_545 = arith.subf %min3A_541, %max3A_535 : vector<16xf32>
        %max3A_546 = arith.constant 0.000000e+00 : f32
        %max3A_547 = vector.broadcast %max3A_546 : f32 to vector<16xf32>
        %max3A_548 = arith.maximumf %sub3A_545, %max3A_547 : vector<16xf32>
        %sub3A_549 = arith.subf %min3A_544, %max3A_538 : vector<16xf32>
        %max3A_550 = arith.constant 0.000000e+00 : f32
        %max3A_551 = vector.broadcast %max3A_550 : f32 to vector<16xf32>
        %max3A_552 = arith.maximumf %sub3A_549, %max3A_551 : vector<16xf32>
        %mul3A_553 = arith.mulf %max3A_548, %max3A_552 : vector<16xf32>
        %mul3A_554 = arith.constant 3.000000e+00 : f32
        %mul3A_555 = vector.broadcast %mul3A_554 : f32 to vector<16xf32>
        %mul3A_556 = arith.mulf %mul3A_555, %mul3A_553 : vector<16xf32>
        %get3A_557 = arith.index_cast %mul3A_532 : i32 to index
        %get3A_558 = tpu.vector_load %arg12[%get3A_557] {strides = array<i32>} : memref<1280xf32, #tpu.memory_space<vmem>>, vector<16xf32>,
        %add3A_559 = arith.addf %add3A_272, %get3A_558 : vector<16xf32>
        %gt3A_560 = arith.cmpf ogt, %mul3A_556, %add3A_559 : vector<16xf32>
        %get3A_561 = arith.index_cast %mul3A_532 : i32 to index
        %get3A_562 = tpu.vector_load %arg14[%get3A_561] {strides = array<i32>} : memref<1280xf32, #tpu.memory_space<vmem>>, vector<16xf32>,
        %jit3A_563 = arith.constant -1.000000e+30 : f32
        %broadcast_in_dim3A_564 = vector.broadcast %jit3A_563 : f32 to vector<16xf32>
        %select_n3A_565 = arith.select %gt3A_560, %broadcast_in_dim3A_564, %get3A_562 : vector<16xi1>, vector<16xf32>
        %swap3A_566 = arith.index_cast %mul3A_532 : i32 to index
        %swap3A_567 = tpu.vector_load %arg14[%swap3A_566] {strides = array<i32>} : memref<1280xf32, #tpu.memory_space<vmem>>, vector<16xf32>,
        tpu.vector_store %arg14[%swap3A_566], %select_n3A_565 {strides = array<i32>} : memref<1280xf32, #tpu.memory_space<vmem>>, vector<16xf32>,
        %gt3A_568 = arith.cmpf ogt, %select_n3A_565, %scan3A_432 : vector<16xf32>
        %select_n3A_569 = arith.select %gt3A_568, %select_n3A_565, %scan3A_432 : vector<16xi1>, vector<16xf32>
        %add3A_570 = arith.constant 2 : i32
        %add3A_571 = arith.addi %mul3A_439, %add3A_570 : i32
        %broadcast_in_dim3A_572 = vector.broadcast %add3A_571 : i32 to vector<16xi32>
        %select_n3A_573 = arith.select %gt3A_568, %broadcast_in_dim3A_572, %scan3A_436 : vector<16xi1>, vector<16xi32>
        %add3A_574 = arith.constant 3 : i32
        %add3A_575 = arith.addi %mul3A_439, %add3A_574 : i32
        %mul3A_576 = arith.constant 16 : i32
        %mul3A_577 = arith.muli %add3A_575, %mul3A_576 : i32
        %get3A_578 = arith.index_cast %mul3A_577 : i32 to index
        %get3A_579 = tpu.vector_load %arg8[%get3A_578] {strides = array<i32>} : memref<1280xf32, #tpu.memory_space<vmem>>, vector<16xf32>,
        %max3A_580 = arith.maximumf %get3A_579, %gather3A_223 : vector<16xf32>
        %get3A_581 = arith.index_cast %mul3A_577 : i32 to index
        %get3A_582 = tpu.vector_load %arg9[%get3A_581] {strides = array<i32>} : memref<1280xf32, #tpu.memory_space<vmem>>, vector<16xf32>,
        %max3A_583 = arith.maximumf %get3A_582, %gather3A_227 : vector<16xf32>
        %get3A_584 = arith.index_cast %mul3A_577 : i32 to index
        %get3A_585 = tpu.vector_load %arg10[%get3A_584] {strides = array<i32>} : memref<1280xf32, #tpu.memory_space<vmem>>, vector<16xf32>,
        %min3A_586 = arith.minimumf %get3A_585, %gather3A_231 : vector<16xf32>
        %get3A_587 = arith.index_cast %mul3A_577 : i32 to index
        %get3A_588 = tpu.vector_load %arg11[%get3A_587] {strides = array<i32>} : memref<1280xf32, #tpu.memory_space<vmem>>, vector<16xf32>,
        %min3A_589 = arith.minimumf %get3A_588, %gather3A_235 : vector<16xf32>
        %sub3A_590 = arith.subf %min3A_586, %max3A_580 : vector<16xf32>
        %max3A_591 = arith.constant 0.000000e+00 : f32
        %max3A_592 = vector.broadcast %max3A_591 : f32 to vector<16xf32>
        %max3A_593 = arith.maximumf %sub3A_590, %max3A_592 : vector<16xf32>
        %sub3A_594 = arith.subf %min3A_589, %max3A_583 : vector<16xf32>
        %max3A_595 = arith.constant 0.000000e+00 : f32
        %max3A_596 = vector.broadcast %max3A_595 : f32 to vector<16xf32>
        %max3A_597 = arith.maximumf %sub3A_594, %max3A_596 : vector<16xf32>
        %mul3A_598 = arith.mulf %max3A_593, %max3A_597 : vector<16xf32>
        %mul3A_599 = arith.constant 3.000000e+00 : f32
        %mul3A_600 = vector.broadcast %mul3A_599 : f32 to vector<16xf32>
        %mul3A_601 = arith.mulf %mul3A_600, %mul3A_598 : vector<16xf32>
        %get3A_602 = arith.index_cast %mul3A_577 : i32 to index
        %get3A_603 = tpu.vector_load %arg12[%get3A_602] {strides = array<i32>} : memref<1280xf32, #tpu.memory_space<vmem>>, vector<16xf32>,
        %add3A_604 = arith.addf %add3A_272, %get3A_603 : vector<16xf32>
        %gt3A_605 = arith.cmpf ogt, %mul3A_601, %add3A_604 : vector<16xf32>
        %get3A_606 = arith.index_cast %mul3A_577 : i32 to index
        %get3A_607 = tpu.vector_load %arg14[%get3A_606] {strides = array<i32>} : memref<1280xf32, #tpu.memory_space<vmem>>, vector<16xf32>,
        %jit3A_608 = arith.constant -1.000000e+30 : f32
        %broadcast_in_dim3A_609 = vector.broadcast %jit3A_608 : f32 to vector<16xf32>
        %select_n3A_610 = arith.select %gt3A_605, %broadcast_in_dim3A_609, %get3A_607 : vector<16xi1>, vector<16xf32>
        %swap3A_611 = arith.index_cast %mul3A_577 : i32 to index
        %swap3A_612 = tpu.vector_load %arg14[%swap3A_611] {strides = array<i32>} : memref<1280xf32, #tpu.memory_space<vmem>>, vector<16xf32>,
        tpu.vector_store %arg14[%swap3A_611], %select_n3A_610 {strides = array<i32>} : memref<1280xf32, #tpu.memory_space<vmem>>, vector<16xf32>,
        %gt3A_613 = arith.cmpf ogt, %select_n3A_610, %scan3A_433 : vector<16xf32>
        %select_n3A_614 = arith.select %gt3A_613, %select_n3A_610, %scan3A_433 : vector<16xi1>, vector<16xf32>
        %add3A_615 = arith.constant 3 : i32
        %add3A_616 = arith.addi %mul3A_439, %add3A_615 : i32
        %broadcast_in_dim3A_617 = vector.broadcast %add3A_616 : i32 to vector<16xi32>
        %select_n3A_618 = arith.select %gt3A_613, %broadcast_in_dim3A_617, %scan3A_437 : vector<16xi1>, vector<16xi32>
        scf.yield %select_n3A_479, %select_n3A_524, %select_n3A_569, %select_n3A_614, %select_n3A_483, %select_n3A_528, %select_n3A_573, %select_n3A_618 : vector<16xf32>, vector<16xf32>, vector<16xf32>, vector<16xf32>, vector<16xi32>, vector<16xi32>, vector<16xi32>, vector<16xi32>
      }
      %scan3A_278 = arith.constant 20 : i32
      %gt3A = arith.cmpf ogt, %scan3A_277#1, %scan3A_277#0 : vector<16xf32>
      %select_n3A_279 = arith.select %gt3A, %scan3A_277#1, %scan3A_277#0 : vector<16xi1>, vector<16xf32>
      %select_n3A_280 = arith.select %gt3A, %scan3A_277#5, %scan3A_277#4 : vector<16xi1>, vector<16xi32>
      %gt3A_281 = arith.cmpf ogt, %scan3A_277#2, %select_n3A_279 : vector<16xf32>
      %select_n3A_282 = arith.select %gt3A_281, %scan3A_277#2, %select_n3A_279 : vector<16xi1>, vector<16xf32>
      %select_n3A_283 = arith.select %gt3A_281, %scan3A_277#6, %select_n3A_280 : vector<16xi1>, vector<16xi32>
      %gt3A_284 = arith.cmpf ogt, %scan3A_277#3, %select_n3A_282 : vector<16xf32>
      %select_n3A_285 = arith.select %gt3A_284, %scan3A_277#3, %select_n3A_282 : vector<16xi1>, vector<16xf32>
      %select_n3A_286 = arith.select %gt3A_284, %scan3A_277#7, %select_n3A_283 : vector<16xi1>, vector<16xi32>
      %sub3A = arith.constant 1 : i32
      %sub3A_287 = arith.subi %sub3A, %and3A_150 : i32
      %mul3A_288 = arith.constant 256 : i32
      %mul3A_289 = arith.muli %sub3A_287, %mul3A_288 : i32
      %xor3A_290 = arith.constant 1 : i32
      %xor3A_291 = vector.broadcast %xor3A_290 : i32 to vector<16xi32>
      %xor3A_292 = arith.xori %iota3A, %xor3A_291 : vector<16xi32>
      %broadcast_in_dim3A_293 = vector.shape_cast %xor3A_292 : vector<16xi32> to vector<16x1xi32>
      %gather3A_294 = vector.shape_cast %broadcast_in_dim3A_293 : vector<16x1xi32> to vector<16xi32>
      %gather3A_295 = tpu.dynamic_gather %select_n3A_285[%gather3A_294] in [0] : vector<16xf32>, vector<16xi32> -> vector<16xf32>
      %max3A_296 = arith.maximumf %select_n3A_285, %gather3A_295 : vector<16xf32>
      %xor3A_297 = arith.constant 2 : i32
      %xor3A_298 = vector.broadcast %xor3A_297 : i32 to vector<16xi32>
      %xor3A_299 = arith.xori %iota3A, %xor3A_298 : vector<16xi32>
      %broadcast_in_dim3A_300 = vector.shape_cast %xor3A_299 : vector<16xi32> to vector<16x1xi32>
      %gather3A_301 = vector.shape_cast %broadcast_in_dim3A_300 : vector<16x1xi32> to vector<16xi32>
      %gather3A_302 = tpu.dynamic_gather %max3A_296[%gather3A_301] in [0] : vector<16xf32>, vector<16xi32> -> vector<16xf32>
      %max3A_303 = arith.maximumf %max3A_296, %gather3A_302 : vector<16xf32>
      %xor3A_304 = arith.constant 4 : i32
      %xor3A_305 = vector.broadcast %xor3A_304 : i32 to vector<16xi32>
      %xor3A_306 = arith.xori %iota3A, %xor3A_305 : vector<16xi32>
      %broadcast_in_dim3A_307 = vector.shape_cast %xor3A_306 : vector<16xi32> to vector<16x1xi32>
      %gather3A_308 = vector.shape_cast %broadcast_in_dim3A_307 : vector<16x1xi32> to vector<16xi32>
      %gather3A_309 = tpu.dynamic_gather %max3A_303[%gather3A_308] in [0] : vector<16xf32>, vector<16xi32> -> vector<16xf32>
      %max3A_310 = arith.maximumf %max3A_303, %gather3A_309 : vector<16xf32>
      %xor3A_311 = arith.constant 8 : i32
      %xor3A_312 = vector.broadcast %xor3A_311 : i32 to vector<16xi32>
      %xor3A_313 = arith.xori %iota3A, %xor3A_312 : vector<16xi32>
      %broadcast_in_dim3A_314 = vector.shape_cast %xor3A_313 : vector<16xi32> to vector<16x1xi32>
      %gather3A_315 = vector.shape_cast %broadcast_in_dim3A_314 : vector<16x1xi32> to vector<16xi32>
      %gather3A_316 = tpu.dynamic_gather %max3A_310[%gather3A_315] in [0] : vector<16xf32>, vector<16xi32> -> vector<16xf32>
      %max3A_317 = arith.maximumf %max3A_310, %gather3A_316 : vector<16xf32>
      %eq3A_318 = arith.cmpf oeq, %select_n3A_285, %max3A_317 : vector<16xf32>
      %jit3A_319 = arith.constant 16 : i32
      %broadcast_in_dim3A_320 = vector.broadcast %jit3A_319 : i32 to vector<16xi32>
      %select_n3A_321 = arith.select %eq3A_318, %iota3A, %broadcast_in_dim3A_320 : vector<16xi1>, vector<16xi32>
      %xor3A_322 = arith.constant 1 : i32
      %xor3A_323 = vector.broadcast %xor3A_322 : i32 to vector<16xi32>
      %xor3A_324 = arith.xori %iota3A, %xor3A_323 : vector<16xi32>
      %broadcast_in_dim3A_325 = vector.shape_cast %xor3A_324 : vector<16xi32> to vector<16x1xi32>
      %gather3A_326 = vector.shape_cast %broadcast_in_dim3A_325 : vector<16x1xi32> to vector<16xi32>
      %gather3A_327 = tpu.dynamic_gather %select_n3A_321[%gather3A_326] in [0] : vector<16xi32>, vector<16xi32> -> vector<16xi32>
      %min3A_328 = arith.minsi %select_n3A_321, %gather3A_327 : vector<16xi32>
      %xor3A_329 = arith.constant 2 : i32
      %xor3A_330 = vector.broadcast %xor3A_329 : i32 to vector<16xi32>
      %xor3A_331 = arith.xori %iota3A, %xor3A_330 : vector<16xi32>
      %broadcast_in_dim3A_332 = vector.shape_cast %xor3A_331 : vector<16xi32> to vector<16x1xi32>
      %gather3A_333 = vector.shape_cast %broadcast_in_dim3A_332 : vector<16x1xi32> to vector<16xi32>
      %gather3A_334 = tpu.dynamic_gather %min3A_328[%gather3A_333] in [0] : vector<16xi32>, vector<16xi32> -> vector<16xi32>
      %min3A_335 = arith.minsi %min3A_328, %gather3A_334 : vector<16xi32>
      %xor3A_336 = arith.constant 4 : i32
      %xor3A_337 = vector.broadcast %xor3A_336 : i32 to vector<16xi32>
      %xor3A_338 = arith.xori %iota3A, %xor3A_337 : vector<16xi32>
      %broadcast_in_dim3A_339 = vector.shape_cast %xor3A_338 : vector<16xi32> to vector<16x1xi32>
      %gather3A_340 = vector.shape_cast %broadcast_in_dim3A_339 : vector<16x1xi32> to vector<16xi32>
      %gather3A_341 = tpu.dynamic_gather %min3A_335[%gather3A_340] in [0] : vector<16xi32>, vector<16xi32> -> vector<16xi32>
      %min3A_342 = arith.minsi %min3A_335, %gather3A_341 : vector<16xi32>
      %xor3A_343 = arith.constant 8 : i32
      %xor3A_344 = vector.broadcast %xor3A_343 : i32 to vector<16xi32>
      %xor3A_345 = arith.xori %iota3A, %xor3A_344 : vector<16xi32>
      %broadcast_in_dim3A_346 = vector.shape_cast %xor3A_345 : vector<16xi32> to vector<16x1xi32>
      %gather3A_347 = vector.shape_cast %broadcast_in_dim3A_346 : vector<16x1xi32> to vector<16xi32>
      %gather3A_348 = tpu.dynamic_gather %min3A_342[%gather3A_347] in [0] : vector<16xi32>, vector<16xi32> -> vector<16xi32>
      %min3A_349 = arith.minsi %min3A_342, %gather3A_348 : vector<16xi32>
      %eq3A_350 = arith.cmpi eq, %iota3A, %min3A_349 : vector<16xi32>
      %jit3A_351 = arith.constant 0 : i32
      %broadcast_in_dim3A_352 = vector.broadcast %jit3A_351 : i32 to vector<16xi32>
      %select_n3A_353 = arith.select %eq3A_350, %select_n3A_286, %broadcast_in_dim3A_352 : vector<16xi1>, vector<16xi32>
      %xor3A_354 = arith.constant 1 : i32
      %xor3A_355 = vector.broadcast %xor3A_354 : i32 to vector<16xi32>
      %xor3A_356 = arith.xori %iota3A, %xor3A_355 : vector<16xi32>
      %broadcast_in_dim3A_357 = vector.shape_cast %xor3A_356 : vector<16xi32> to vector<16x1xi32>
      %gather3A_358 = vector.shape_cast %broadcast_in_dim3A_357 : vector<16x1xi32> to vector<16xi32>
      %gather3A_359 = tpu.dynamic_gather %select_n3A_353[%gather3A_358] in [0] : vector<16xi32>, vector<16xi32> -> vector<16xi32>
      %max3A_360 = arith.maxsi %select_n3A_353, %gather3A_359 : vector<16xi32>
      %xor3A_361 = arith.constant 2 : i32
      %xor3A_362 = vector.broadcast %xor3A_361 : i32 to vector<16xi32>
      %xor3A_363 = arith.xori %iota3A, %xor3A_362 : vector<16xi32>
      %broadcast_in_dim3A_364 = vector.shape_cast %xor3A_363 : vector<16xi32> to vector<16x1xi32>
      %gather3A_365 = vector.shape_cast %broadcast_in_dim3A_364 : vector<16x1xi32> to vector<16xi32>
      %gather3A_366 = tpu.dynamic_gather %max3A_360[%gather3A_365] in [0] : vector<16xi32>, vector<16xi32> -> vector<16xi32>
      %max3A_367 = arith.maxsi %max3A_360, %gather3A_366 : vector<16xi32>
      %xor3A_368 = arith.constant 4 : i32
      %xor3A_369 = vector.broadcast %xor3A_368 : i32 to vector<16xi32>
      %xor3A_370 = arith.xori %iota3A, %xor3A_369 : vector<16xi32>
      %broadcast_in_dim3A_371 = vector.shape_cast %xor3A_370 : vector<16xi32> to vector<16x1xi32>
      %gather3A_372 = vector.shape_cast %broadcast_in_dim3A_371 : vector<16x1xi32> to vector<16xi32>
      %gather3A_373 = tpu.dynamic_gather %max3A_367[%gather3A_372] in [0] : vector<16xi32>, vector<16xi32> -> vector<16xi32>
      %max3A_374 = arith.maxsi %max3A_367, %gather3A_373 : vector<16xi32>
      %xor3A_375 = arith.constant 8 : i32
      %xor3A_376 = vector.broadcast %xor3A_375 : i32 to vector<16xi32>
      %xor3A_377 = arith.xori %iota3A, %xor3A_376 : vector<16xi32>
      %broadcast_in_dim3A_378 = vector.shape_cast %xor3A_377 : vector<16xi32> to vector<16x1xi32>
      %gather3A_379 = vector.shape_cast %broadcast_in_dim3A_378 : vector<16x1xi32> to vector<16xi32>
      %gather3A_380 = tpu.dynamic_gather %max3A_374[%gather3A_379] in [0] : vector<16xi32>, vector<16xi32> -> vector<16xi32>
      %max3A_381 = arith.maxsi %max3A_374, %gather3A_380 : vector<16xi32>
      %mul3A_382 = arith.constant 16 : i32
      %mul3A_383 = vector.broadcast %mul3A_382 : i32 to vector<16xi32>
      %mul3A_384 = arith.muli %max3A_381, %mul3A_383 : vector<16xi32>
      %add3A_385 = arith.addi %mul3A_384, %min3A_349 : vector<16xi32>
      %gather3A_386 = tpu.vector_load_idx %arg8[%add3A_385] : memref<1280xf32, #tpu.memory_space<vmem>>[vector<16xi32>], vector<16xf32>,
      %gather3A_387 = tpu.vector_load_idx %arg9[%add3A_385] : memref<1280xf32, #tpu.memory_space<vmem>>[vector<16xi32>], vector<16xf32>,
      %gather3A_388 = tpu.vector_load_idx %arg10[%add3A_385] : memref<1280xf32, #tpu.memory_space<vmem>>[vector<16xi32>], vector<16xf32>,
      %gather3A_389 = tpu.vector_load_idx %arg11[%add3A_385] : memref<1280xf32, #tpu.memory_space<vmem>>[vector<16xi32>], vector<16xf32>,
      %gather3A_390 = tpu.vector_load_idx %arg12[%add3A_385] : memref<1280xf32, #tpu.memory_space<vmem>>[vector<16xi32>], vector<16xf32>,
      %gather3A_391 = tpu.vector_load_idx %arg13[%add3A_385] : memref<1280xf32, #tpu.memory_space<vmem>>[vector<16xi32>], vector<16xf32>,
      %eq3A_392 = arith.constant 0 : i32
      %eq3A_393 = vector.broadcast %eq3A_392 : i32 to vector<16xi32>
      %eq3A_394 = arith.cmpi eq, %iota3A, %eq3A_393 : vector<16xi32>
      %eq3A_395 = arith.constant 1 : i32
      %eq3A_396 = vector.broadcast %eq3A_395 : i32 to vector<16xi32>
      %eq3A_397 = arith.cmpi eq, %iota3A, %eq3A_396 : vector<16xi32>
      %eq3A_398 = arith.constant 2 : i32
      %eq3A_399 = vector.broadcast %eq3A_398 : i32 to vector<16xi32>
      %eq3A_400 = arith.cmpi eq, %iota3A, %eq3A_399 : vector<16xi32>
      %eq3A_401 = arith.constant 3 : i32
      %eq3A_402 = vector.broadcast %eq3A_401 : i32 to vector<16xi32>
      %eq3A_403 = arith.cmpi eq, %iota3A, %eq3A_402 : vector<16xi32>
      %eq3A_404 = arith.constant 4 : i32
      %eq3A_405 = vector.broadcast %eq3A_404 : i32 to vector<16xi32>
      %eq3A_406 = arith.cmpi eq, %iota3A, %eq3A_405 : vector<16xi32>
      %eq3A_407 = arith.constant 5 : i32
      %eq3A_408 = vector.broadcast %eq3A_407 : i32 to vector<16xi32>
      %eq3A_409 = arith.cmpi eq, %iota3A, %eq3A_408 : vector<16xi32>
      %eq3A_410 = arith.constant 6 : i32
      %eq3A_411 = vector.broadcast %eq3A_410 : i32 to vector<16xi32>
      %eq3A_412 = arith.cmpi eq, %iota3A, %eq3A_411 : vector<16xi32>
      %jit3A_413 = arith.constant 0.000000e+00 : f32
      %broadcast_in_dim3A_414 = vector.broadcast %jit3A_413 : f32 to vector<16xf32>
      %select_n3A_415 = arith.select %eq3A_412, %gather3A_391, %broadcast_in_dim3A_414 : vector<16xi1>, vector<16xf32>
      %select_n3A_416 = arith.select %eq3A_409, %gather3A_390, %select_n3A_415 : vector<16xi1>, vector<16xf32>
      %select_n3A_417 = arith.select %eq3A_406, %gather3A_389, %select_n3A_416 : vector<16xi1>, vector<16xf32>
      %select_n3A_418 = arith.select %eq3A_403, %gather3A_388, %select_n3A_417 : vector<16xi1>, vector<16xf32>
      %select_n3A_419 = arith.select %eq3A_400, %gather3A_387, %select_n3A_418 : vector<16xi1>, vector<16xf32>
      %select_n3A_420 = arith.select %eq3A_397, %gather3A_386, %select_n3A_419 : vector<16xi1>, vector<16xf32>
      %select_n3A_421 = arith.select %eq3A_394, %max3A_317, %select_n3A_420 : vector<16xi1>, vector<16xf32>
      %swap3A_422 = arith.constant 0 : index
      %swap3A_423 = tpu.vector_load %arg15[%swap3A_422] {strides = array<i32>} : memref<16xf32, #tpu.memory_space<vmem>>, vector<16xf32>,
      tpu.vector_store %arg15[%swap3A_422], %select_n3A_421 {strides = array<i32>} : memref<16xf32, #tpu.memory_space<vmem>>, vector<16xf32>,
      %mul3A_424 = arith.constant 16 : i32
      %mul3A_425 = arith.muli %arg1, %mul3A_424 : i32
      %add3A_426 = arith.addi %mul3A_289, %mul3A_425 : i32
      "tpu.region"() ({
        %run_scoped3A = tpu.sem_alloc : memref<!tpu.dma_semaphore, #tpu.memory_space<semaphore_mem>>
        %dma_start3A = tpu.memref_slice %arg18[%add3A_426] : memref<512xf32, #tpu.memory_space<vmem_shared>> -> memref<16xf32, #tpu.memory_space<vmem_shared>>
        %dma_start3A_429 = tpu.memref_slice %arg18[%add3A_426] : memref<512xf32, #tpu.memory_space<vmem_shared>> -> memref<16xf32, #tpu.memory_space<vmem_shared>>
        tpu.enqueue_dma source(%arg15 : memref<16xf32, #tpu.memory_space<vmem>>) target(%dma_start3A_429 : memref<16xf32, #tpu.memory_space<vmem_shared>>) target_semaphore(%run_scoped3A : memref<!tpu.dma_semaphore, #tpu.memory_space<semaphore_mem>>)
        %dma_wait3A = tpu.memref_slice %arg18[%add3A_426] : memref<512xf32, #tpu.memory_space<vmem_shared>> -> memref<16xf32, #tpu.memory_space<vmem_shared>>
        %dma_wait3A_430 = tpu.memref_slice %arg18[%add3A_426] : memref<512xf32, #tpu.memory_space<vmem_shared>> -> memref<16xf32, #tpu.memory_space<vmem_shared>>
        tpu.wait_dma2 semaphore(%run_scoped3A : memref<!tpu.dma_semaphore, #tpu.memory_space<semaphore_mem>>) src(%arg15 : memref<16xf32, #tpu.memory_space<vmem>>) dst(%dma_wait3A_430 : memref<16xf32, #tpu.memory_space<vmem_shared>>)
        tpu.yield
      }) : () -> ()
      %barrier3A_427 = arith.constant 0 : index
      tpu.barrier barrier_id(%barrier3A_427)
      %scan3A_428 = arith.constant 0 : i32
      scf.yield %scan3A_428 : i32
    }
    %scan3A_141 = arith.constant 40 : i32
    %eq3A_142 = arith.constant 0 : i32
    %eq3A_143 = arith.cmpi eq, %arg0, %eq3A_142 : i32
    %eq3A_144 = arith.constant 0 : i32
    %eq3A_145 = arith.cmpi eq, %arg1, %eq3A_144 : i32
    %and3A = arith.andi %eq3A_143, %eq3A_145 : i1
    %convert_element_type3A = arith.extui %and3A : i1 to i32
    %cond3A = arith.constant 0 : i32
    %cond3A_146 = arith.cmpi ne, %convert_element_type3A, %cond3A : i32
    scf.if %cond3A_146 {
      "tpu.region"() ({
        %run_scoped3A = tpu.sem_alloc : memref<!tpu.dma_semaphore, #tpu.memory_space<semaphore_mem>>
        tpu.enqueue_dma source(%arg17 : memref<640xf32, #tpu.memory_space<vmem>>) target(%arg7 : memref<640xf32, #tpu.memory_space<hbm>>) target_semaphore(%run_scoped3A : memref<!tpu.dma_semaphore, #tpu.memory_space<semaphore_mem>>)
        tpu.wait_dma2 semaphore(%run_scoped3A : memref<!tpu.dma_semaphore, #tpu.memory_space<semaphore_mem>>) src(%arg17 : memref<640xf32, #tpu.memory_space<vmem>>) dst(%arg7 : memref<640xf32, #tpu.memory_space<hbm>>)
        tpu.yield
      }) : () -> ()
    } else {
    }
    return
  }
}

</mosaic_0001>

<sc_bundles>
// kernel: _nms_sc.3.cloned.1.call-start
scs
__scs_entry_jumppad:
0x0: {  	(pc) =	sbr.rel $0x88, $3  }
0x1: {  	(tag) =	ssettag $0x0;
	lr =	simm.s32 $0x1  }
0x2: {  	[smem:$0x3F9C] =	sst lr;
	_ =	strace $0xD0000000  }
0x3: {  	_ = 	snop  }
0x4: {  	_ = 	snop  }
0x5: {  	_ = 	snop  }
0x6: {  	_ = 	snop  }
0x7: {  	_ = 	snop  }
__scs_overlays_trampoline_lowered:
0x8: {  	[smem:$0x3FAB] =	sst s0  }
0x9: {  	[smem:$0x3FAC] =	sst s1  }
0xa: {  	[smem:$0x3FAD] =	sst s2  }
0xb: {  	[smem:$0x3FAE] =	sst s3  }
0xc: {  	[smem:$0x3FAF] =	sst s4  }
0xd: {  	[smem:$0x3FB0] =	sst s5  }
0xe: {  	[smem:$0x3FB1] =	sst s6  }
0xf: {  	[smem:$0x3FB2] =	sst s7  }
0x10: {  	[smem:$0x3FB3] =	sst s8  }
0x11: {  	[smem:$0x3FB4] =	sst s9;
	s0 =	simm.s32 @!p0 $0x0  }
0x12: {  	s1 =	sld [smem:$0x3F9A];
	s0 =	simm.s32 @p0 $0x1  }
0x13: {  	[smem:$0x3FB5] =	sst s0;
	s0 =	simm.s32 @!p1 $0x0  }
0x14: {  	s2 =	sld [smem:$0x3F99];
	s0 =	simm.s32 @p1 $0x1  }
0x15: {  	[smem:$0x3FB6] =	sst s0;
	s0 =	simm.s32 @!p2 $0x0  }
0x16: {  	s3 =	sld [smem:$0x3FDB];
	s0 =	simm.s32 @p2 $0x1  }
0x17: {  	s4 =	simm.s32 $0x1BF5;
	[smem:$0x3FB8] =	sst s0  }
0x18: {  	s0 =	sld [smem:$0x3F9B];
	_ =	swait.ge [sflag:s4], $0x0  }
0x19: {  	s7 =	sld [smem:$0x3F9C]  }
0x1a: {  	s8 =	sadd.s32 $0xFFFFE003, lr  }
0x1b: {  	s9 =	sadd.s32 $0xFFFFFEF7, lr;
	s5 =	simm.s32 $0xFFFFFFFF;
	p2 =	slt.u32 s8, $0xFFFFF086  }
0x1c: {  	p1 =	slt.u32 s9, $0xF7A;
	s5 =	simm.s32 @!p2 $0x0  }
0x1d: {  	s5 =	simm.s32 @p1 $0x1;
	p0 =	seq.s32 s7, s2  }
0x1e: {  	s7 =	smul.u32 @!p0 $0xF7A, s2;
	p2 =	seq.s32 @!p0 s5, $0x0  }
0x1f: {  	s9 =	smul.u32 $0xF7A, s1;
	s8 =	simm.s32 @!p0 $0x1BF5;
	p2 =	por !p2, p0  }
0x20: {  	[sflag:s8] =	ssyncset.s32 @!p0 $0xFFFFF086;
	s6 =	sadd.s32 @!p0 s3, s7;
	s7 =	simm.s32 @!p0 $0x108  }
0x21: {  	s3 =	sadd.s32 s3, s9;
	s6 =	sadd.s32 @!p0 $0x88, s6;
	s7 =	simm.s32 @p2 $0x1082  }
0x22: {  	[simem:s7], [sflag:s8] =	dma.local @!p0 [hbm:s6], $0xF7A  }
0x23: {  	s9 =	sor.u32 $0xD0000000, s2;
	s6 =	simm.s32 $0x108;
	_ =	swait.ge @!p0 [sflag:s8], $0x0  }
0x24: {  	s3 =	sadd.s32 $0x88, s3;
	s6 =	simm.s32 @!p1 $0x1082;
	[sflag:s4] =	ssyncset.s32 $0xFFFFF086  }
0x25: {  	[simem:s6], [sflag:s4] =	dma.local [hbm:s3], $0xF7A  }
0x26: {  	[smem:$0x3F9C] =	sst s1;
	(tag) =	ssettag s2;
	_ =	strace s9  }
0x27: {  	s1 =	sld [smem:$0x3FAC]  }
0x28: {  	s2 =	sld [smem:$0x3FAD]  }
0x29: {  	s4 =	sld [smem:$0x3FAF]  }
0x2a: {  	p0 =	seq.s32 s5, $0x0;
	s5 =	sld [smem:$0x3FB0]  }
0x2b: {  	s6 =	sld [smem:$0x3FB1]  }
0x2c: {  	s7 =	sld [smem:$0x3FB2]  }
0x2d: {  	s3 =	simm.s32 $0x108;
	s8 =	sld [smem:$0x3FB3]  }
0x2e: {  	s3 =	simm.s32 @!p0 $0x1082;
	s9 =	sld [smem:$0x3FB4]  }
0x2f: {  	lr =	sadd.s32 s0, s3;
	s0 =	sld [smem:$0x3FAB]  }
0x30: {  	s3 =	sld [smem:$0x3FAE]  }
0x31: {  	[smem:$0x3FB7] =	sst s10  }
0x32: {  	s10 =	sld [smem:$0x3FB5];
	_ =	sdelay $0x3  }
0x33: {  	p0 =	seq.s32 s10, $0x1;
	s10 =	sld [smem:$0x3FB7];
	_ =	sdelay $0x3  }
0x34: {  	[smem:$0x3FB7] =	sst s10  }
0x35: {  	s10 =	sld [smem:$0x3FB6];
	_ =	sdelay $0x3  }
0x36: {  	p1 =	seq.s32 s10, $0x1;
	s10 =	sld [smem:$0x3FB7];
	_ =	sdelay $0x3  }
0x37: {  	[smem:$0x3FB7] =	sst s10  }
0x38: {  	s10 =	sld [smem:$0x3FB8]  }
0x39: {  	_ = 	snop;
	(pc) =	sbr.ind lr, $3  }
0x3a: {  	_ = 	snop  }
0x3b: {  	_ = 	snop  }
0x3c: {  	p2 =	seq.s32 s10, $0x1;
	s10 =	sld [smem:$0x3FB7]  }
0x3d: {  	_ =	shalt  }
0x3e: {  	_ =	shalt  }
0x3f: {  	_ =	shalt  }
0x40: {  	_ =	shalt  }
0x41: {  	_ =	shalt  }
0x42: {  	_ =	shalt  }
0x43: {  	_ =	shalt  }
0x44: {  	_ =	shalt  }
0x45: {  	_ =	shalt  }
0x46: {  	_ =	shalt  }
0x47: {  	_ =	shalt  }
0x48: {  	_ =	shalt  }
0x49: {  	_ =	shalt  }
0x4a: {  	_ =	shalt  }
0x4b: {  	_ =	shalt  }
0x4c: {  	_ =	shalt  }
0x4d: {  	_ =	shalt  }
0x4e: {  	_ =	shalt  }
0x4f: {  	_ =	shalt  }
0x50: {  	_ =	shalt  }
0x51: {  	_ =	shalt  }
0x52: {  	_ =	shalt  }
0x53: {  	_ =	shalt  }
0x54: {  	_ =	shalt  }
0x55: {  	_ =	shalt  }
0x56: {  	_ =	shalt  }
0x57: {  	_ =	shalt  }
0x58: {  	_ =	shalt  }
0x59: {  	_ =	shalt  }
0x5a: {  	_ =	shalt  }
0x5b: {  	_ =	shalt  }
0x5c: {  	_ =	shalt  }
0x5d: {  	_ =	shalt  }
0x5e: {  	_ =	shalt  }
0x5f: {  	_ =	shalt  }
0x60: {  	_ =	shalt  }
0x61: {  	_ =	shalt  }
0x62: {  	_ =	shalt  }
0x63: {  	_ =	shalt  }
0x64: {  	_ =	shalt  }
0x65: {  	_ =	shalt  }
0x66: {  	_ =	shalt  }
0x67: {  	_ =	shalt  }
0x68: {  	_ =	shalt  }
0x69: {  	_ =	shalt  }
0x6a: {  	_ =	shalt  }
0x6b: {  	_ =	shalt  }
0x6c: {  	_ =	shalt  }
0x6d: {  	_ =	shalt  }
0x6e: {  	_ =	shalt  }
0x6f: {  	_ =	shalt  }
0x70: {  	_ =	shalt  }
0x71: {  	_ =	shalt  }
0x72: {  	_ =	shalt  }
0x73: {  	_ =	shalt  }
0x74: {  	_ =	shalt  }
0x75: {  	_ =	shalt  }
0x76: {  	_ =	shalt  }
0x77: {  	_ =	shalt  }
0x78: {  	_ =	shalt  }
0x79: {  	_ =	shalt  }
0x7a: {  	_ =	shalt  }
0x7b: {  	_ =	shalt  }
0x7c: {  	_ =	shalt  }
0x7d: {  	_ =	shalt  }
0x7e: {  	_ =	shalt  }
0x7f: {  	_ =	shalt  }
0x80: {  	_ =	shalt  }
0x81: {  	_ =	shalt  }
0x82: {  	_ =	shalt  }
0x83: {  	_ =	shalt  }
0x84: {  	_ =	shalt  }
0x85: {  	_ =	shalt  }
0x86: {  	_ =	shalt  }
0x87: {  	_ =	shalt  }
.Lfunc_end0:
.L_simem_size_0:
called_computation_lowered:
.L_overlay_start_0:
0x88: {  	s2 =	sld [smem:$0x3FD9]  }
0x89: {  	s3 =	sld [smem:$0x3FFE];
	_ =	sdelay $0x1  }
0x8a: {  	s1 =	srdreg.scid  }
0x8b: {  	s0 =	sand.u32 $0x1, s1  }
0x8c: {  	s18 =	sshll.u32 s0, $0xA;
	s2 =	sadd.s32 s3, s2  }
0x8d: {  	s2 =	sadd.s32 s2, s18  }
0x8e: {  	[smem:$0x3FC3] =	sst s2  }
0x8f: {  	_ = 	snop  }
0x90: {  	s2 =	sld [smem:$0x3FC9]  }
0x91: {  	s19 =	sld [smem:$0x3FC8]  }
0x92: {  	s4 =	sld [smem:$0x3FC7]  }
0x93: {  	s5 =	sld [smem:$0x3FC6]  }
0x94: {  	s6 =	sld [smem:$0x3FC5]  }
0x95: {  	s7 =	sld [smem:$0x3FD0];
	(tm) =	ssettm $0x1  }
0x96: {  	s8 =	sld [smem:$0x3FFB];
	_ =	sdelay $0x3  }
0x97: {  	_ =	strace s8  }
0x98: {  	s8 =	sld [smem:$0x3FFC];
	_ =	sdelay $0x3  }
0x99: {  	_ =	strace s8  }
0x9a: {  	s8 =	sld [smem:$0x3FFD];
	_ =	sdelay $0x3  }
0x9b: {  	_ =	strace s8  }
0x9c: {  	_ =	strace $0x8FFFFFFF  }
0x9d: {  	s20 =	sld [smem:$0x3FDB];
	_ =	sdelay $0x1  }
0x9e: {  	s9 =	simm.s32 $_scs_section_size  }
0x9f: {  	s10 =	simm.s32 $_size__tile_overlayer_lowered;
	s11 =	simm.s32 $_tile_overlayer_lowered  }
0xa0: {  	s23 =	simm.s32 $0x1BFF;
	s22 =	sshll.u32 s11, $0x1;
	s8 =	sadd.s32 s9, s20  }
0xa1: {  	s12 =	simm.s32 $0x0;
	s21 =	sshll.u32 s10, $0x1;
	s10 =	sadd.s32 s22, s8  }
0xa2: {  	[timem:s12], [sflag:s23] =	dma.local [hbm:s10], s21  }
0xa3: {  	_ =	swait.ge [sflag:s23], s21  }
0xa4: {  	s9 =	ssub.s32 $0x0, s21;
	[sflag:s23] =	ssyncset.done $0x0  }
0xa5: {  	[sflag:s23] =	ssyncadd.s32 s9;
	_ =	sdelay $0x1  }
0xa6: {  	s24 =	simm.s32 $0x1B8B  }
0xa7: {  	_ =	swait.ge [sflag:s24], $0x1  }
0xa8: {  	[sflag:s24] =	ssyncset.done $0x0  }
0xa9: {  	s25 =	simm.s32 $0x1B8E;
	[sflag:s24] =	ssyncadd.s32 $0xFFFFFFFF  }
0xaa: {  	s26 =	simm.s32 $execute0_lowered;
	[smem:$0x3FD2] =	sst s25  }
0xab: {  	s9 =	sshll.u32 s26, $0x1;
	_ =	strace $0x80000046;
	[dreg:$0x1] =	wrdreg $0xFFFFFFFF  }
0xac: {  	s28 =	simm.s32 $_size_execute0_lowered;
	s8 =	sadd.s32 s8, s9;
	[dreg:$0x0] =	wrdreg $0x0  }
0xad: {  	s9 =	sshll.u32 s28, $0x1;
	[dreg:$0x2] =	wrdreg s8  }
0xae: {  	[dreg:$0x3] =	wrdreg s9  }
0xaf: {  	[dreg:$0x4] =	wrdreg $0xC0  }
0xb0: {  	_ =	task [dreg:s12], $0x5FFFF  }
0xb1: {  	[dreg:$0x1] =	wrdreg $0xFFFFFFFF  }
0xb2: {  	[dreg:$0x0] =	wrdreg $0x60  }
0xb3: {  	[dreg:$0x2] =	wrdreg s2  }
0xb4: {  	[dreg:$0x3] =	wrdreg s19  }
0xb5: {  	[dreg:$0x4] =	wrdreg s4  }
0xb6: {  	[dreg:$0x5] =	wrdreg s5  }
0xb7: {  	[dreg:$0x6] =	wrdreg s6  }
0xb8: {  	[dreg:$0x7] =	wrdreg s7  }
0xb9: {  	[dreg:$0x8] =	wrdreg $0x27000  }
0xba: {  	[dreg:$0x9] =	wrdreg $0x9  }
0xbb: {  	_ =	task.clear_ibuf [dreg:s12], $0xAFFFF;
	_ =	strace $0x90000046  }
0xbc: {  	s29 =	simm.s32 $0x9;
	_ =	strace $0x80000048  }
0xbd: {  	_ =	swait.ge [sflag:s29], $0x1  }
0xbe: {  	[sflag:s29] =	ssyncadd.s32 $0xFFFFFFFF  }
0xbf: {  	_ =	strace $0x90000048  }
0xc0: {  	_ =	sfence  }
0xc1: {  	s30 =	sld [smem:$0x0];
	_ =	sdelay $0x2  }
0xc2: {  	s31 =	sshll.u32 s1, $0xD;
	s1 =	sshrl.u32 s1, $0x2  }
0xc3: {  	s3 =	sand.u32 $0x4000, s31;
	s1 =	sadd.s32 s1, s30  }
0xc4: {  	s0 =	sor.u32 s3, s0;
	s1 =	sshll.u32 s1, $0x11  }
0xc5: {  	s0 =	sor.u32 s1, s0  }
0xc6: {  	s0 =	sadd.s32 $0x8F2B, s0  }
0xc7: {  	[sflag:s0] =	ssyncadd.remote.s32 $0x1  }
0xc8: {  	_ =	sfence.sel $0xFFFF  }
0xc9: {  	[dreg:$0x0] =	wrdreg $0xFFFFFFFF;
	(pc) =	sbr.abs _section_cstart, $3  }
0xca: {  	[dreg:$0x1] =	wrdreg $0xFFFFFFFF  }
0xcb: {  	_ =	task.clear_ibuf [dreg:s12], $0x2FFFF;
	_ =	strace $0x9FFFFFFF  }
0xcc: {  	(tm) =	ssettm $0x7FFFFFFF  }
0xcd: {  	_ =	shalt  }
tec
execute0_lowered:
.L_overlay_start_1:
0x0: {  	(tag) =	ssettag $0x1  }
0x1: {  	s1 =	rddreg [dreg:$0x0]  }
0x2: {  	s3 =	rddreg [dreg:$0x1]  }
0x3: {  	s7 =	rddreg [dreg:$0x2]  }
0x4: {  	v0 =	vimm.s32 $0xEFCDAB89;
	s8 =	rddreg [dreg:$0x3];
	v1 =	vimm.s32 $0x67452301  }
0x5: {  	v2 =	vimm.s32 $0xDCFE98BA;
	s9 =	rddreg [dreg:$0x4];
	v3 =	vimm.s32 $0x54761032;
	v4 =	vimm.s32 $0xBA98FEDC  }
0x6: {  	s0 =	rddreg [dreg:$0x5];
	v5 =	vimm.s32 $0x32107654;
	v6 =	vimm.s32 $0xFEDCBA98;
	v7 =	vimm.s32 $0x76543210  }
0x7: {  	s2 =	rddreg [dreg:$0x6];
	s4 =	srdreg.scid;
	vm0 =	vcmask $0x3F1C;
	vm1 =	vcmask $0x3F18;
	vm2 =	vcmask $0x3F14  }
0x8: {  	s13 =	stileid.u32;
	s14 =	simm.s32 $0xA00;
	s15 =	simm.s32 $0xF00;
	vm3 =	vcmask $0x3F10;
	v0 =	vunpack.c.l.s4.s8 v0;
	v1 =	vunpack.c.l.s4.s8 v1  }
0x9: {  	s16 =	simm.s32 $0x1900;
	s17 =	simm.s32 $0x1E00;
	s18 =	simm.s32 $0x1400;
	v2 =	vunpack.c.l.s4.s8 v2;
	v3 =	vunpack.c.l.s4.s8 v3;
	v4 =	vunpack.c.l.s4.s8 v4  }
0xa: {  	s19 =	simm.s32 $0x2300;
	s20 =	simm.s32 $0x2380;
	s21 =	simm.s32 $0x2480;
	v5 =	vunpack.c.l.s4.s8 v5;
	v6 =	vunpack.c.l.s4.s8 v6;
	v0 =	vunpack.c.0.s8.s32 v0  }
0xb: {  	s22 =	simm.s32 $0x0;
	s11 =	sand.u32 $0x1, s4;
	s4 =	simm.s32 $0x0;
	v1 =	vunpack.c.0.s8.s32 v1;
	v2 =	vunpack.c.0.s8.s32 v2;
	v3 =	vunpack.c.0.s8.s32 v3  }
0xc: {  	s10 =	smul.u32 $0xA0, s13;
	v7 =	vunpack.c.l.s4.s8 v7;
	s30 =	sshll.u32 s13, $0x4;
	s5 =	ssub.s32 $0x2, s11;
	v4 =	vunpack.c.0.s8.s32 v4;
	v5 =	vunpack.c.0.s8.s32 v5  }
0xd: {  	[smem:$0x7FF] =	sst s4;
	s31 =	sor.u32 s13, s11;
	s13 =	simm.s32 $0x500;
	v0 =	vcombine.low v1, v0;
	v1 =	vunpack.c.0.s8.s32 v6;
	v2 =	vcombine.low v3, v2  }
0xe: {  	vm4 =	vcmask $0x3F0C;
	s6 =	sshrl.u32 s5, $0x1;
	_ =	strace $0x80000047;
	s7 =	sadd.s32 s7, s10;
	v3 =	vcombine.low v5, v4;
	v4 =	vunpack.c.0.s8.s32 v7  }
0xf: {  	vm5 =	vcmask $0x3F08;
	s8 =	sadd.s32 s8, s10;
	s9 =	sadd.s32 s9, s10;
	p0 =	sne.s32 s31, $0x0;
	v5 =	vand.u32 $0xF, v1;
	v1 =	vand.u32 $0xF, v2  }
0x10: {  	s12 =	ssub.s32 s5, s6;
	s5 =	sadd.s32 s1, s10;
	s6 =	sadd.s32 s3, s10;
	v2 =	vand.u32 $0xF, v3;
	v3 =	vcombine.low v5, v4;
	v4 =	vlaneseq.u32  }
0x11: {  	vm6 =	vmmov $0x1;
	s10 =	sadd.s32 s30, s2;
	s11 =	smax.u32 s12, $0x1;
	s12 =	simm.s32 $0x1;
	v0 =	vand.u32 $0xF, v0;
	v5 =	vmul.u32 $0x10, v4  }
.LBB2_1:
0x12: {  	[tilespmem:s4], [sflag:$0x1] =	stream.linear.gather [hbm4b:s5+s4], $0x500, $0x38;
	[tilespmem:$0x2720] =	vst v63  }
0x13: {  	_ =	swait.ge [sflag:s12], $0x500  }
0x14: {  	[sflag:s12] =	ssyncset.done $0x0  }
0x15: {  	[sflag:s12] =	ssyncadd.s32 $0xFFFFFB00  }
0x16: {  	[tilespmem:s13], [sflag:$0x1] =	stream.linear.gather [hbm4b:s6+s4], $0x500, $0x38;
	[tilespmem:$0x2720] =	vst v63  }
0x17: {  	_ =	swait.ge [sflag:s12], $0x500  }
0x18: {  	[sflag:s12] =	ssyncset.done $0x0  }
0x19: {  	[sflag:s12] =	ssyncadd.s32 $0xFFFFFB00  }
0x1a: {  	[tilespmem:s14], [sflag:$0x1] =	stream.linear.gather [hbm4b:s7+s4], $0x500, $0x38;
	[tilespmem:$0x2720] =	vst v63  }
0x1b: {  	_ =	swait.ge [sflag:s12], $0x500  }
0x1c: {  	[sflag:s12] =	ssyncset.done $0x0  }
0x1d: {  	[sflag:s12] =	ssyncadd.s32 $0xFFFFFB00  }
0x1e: {  	[tilespmem:s15], [sflag:$0x1] =	stream.linear.gather [hbm4b:s8+s4], $0x500, $0x38;
	[tilespmem:$0x2720] =	vst v63  }
0x1f: {  	_ =	swait.ge [sflag:s12], $0x500  }
0x20: {  	[sflag:s12] =	ssyncset.done $0x0  }
0x21: {  	[sflag:s12] =	ssyncadd.s32 $0xFFFFFB00  }
0x22: {  	[tilespmem:s16], [sflag:$0x1] =	stream.linear.gather [hbm4b:s9+s4], $0x500, $0x38;
	[tilespmem:$0x2720] =	vst v63  }
0x23: {  	_ =	swait.ge [sflag:s12], $0x500  }
0x24: {  	[sflag:s12] =	ssyncset.done $0x0  }
0x25: {  	[sflag:s12] =	ssyncadd.s32 $0xFFFFFB00  }
0x26: {  	[tilespmem:s17], [sflag:$0x1] =	stream.linear.gather [hbm4b:s9+s4], $0x500, $0x38;
	[tilespmem:$0x2720] =	vst v63  }
0x27: {  	_ =	swait.ge [sflag:s12], $0x500  }
0x28: {  	[sflag:s12] =	ssyncset.done $0x0  }
0x29: {  	s1 =	simm.s32 $0xA20;
	[sflag:s12] =	ssyncadd.s32 $0xFFFFFB00  }
0x2a: {  	s3 =	simm.s32 $0x20;
	v10 =	vld [tilespmem:s1+$0x10]  }
0x2b: {  	v11 =	vld [tilespmem:s3+$0x10]  }
0x2c: {  	v7 =	vld [tilespmem:s1+$0x0]  }
0x2d: {  	v6 =	vld [tilespmem:s1+$0xFFFFFFF0]  }
0x2e: {  	v8 =	vld [tilespmem:s3+$0xFFFFFFF0]  }
0x2f: {  	v12 =	vld [tilespmem:s1+$0xFFFFFFE0]  }
0x30: {  	s26 =	simm.s32 $0xF20;
	v13 =	vld [tilespmem:s3+$0xFFFFFFE0]  }
0x31: {  	s23 =	simm.s32 $0x520;
	v14 =	vld [tilespmem:s26+$0xFFFFFFE0]  }
0x32: {  	v15 =	vld [tilespmem:s23+$0xFFFFFFE0]  }
0x33: {  	v16 =	vld [tilespmem:s26+$0xFFFFFFF0]  }
0x34: {  	v17 =	vld [tilespmem:s23+$0xFFFFFFF0]  }
0x35: {  	v18 =	vld [tilespmem:s26+$0x0]  }
0x36: {  	v19 =	vld [tilespmem:s23+$0x0]  }
0x37: {  	v9 =	vld [tilespmem:s3+$0x0]  }
0x38: {  	v20 =	vld [tilespmem:s23+$0x10];
	v12 =	vsub.f32 v12, v13;
	v13 =	vsub.f32 v14, v15  }
0x39: {  	s28 =	simm.s32 $0xA60;
	v14 =	vld [tilespmem:s26+$0x10];
	v15 =	vsub.f32 v6, v8  }
0x3a: {  	s29 =	simm.s32 $0x60;
	v6 =	vld [tilespmem:s28+$0x10];
	v16 =	vsub.f32 v16, v17;
	v12 =	vmax.f32 v12, $0.0e+00;
	v13 =	vmax.f32 v13, $0.0e+00  }
0x3b: {  	v8 =	vld [tilespmem:s29+$0x10];
	v17 =	vsub.f32 v18, v19;
	v11 =	vsub.f32 v10, v11;
	v12 =	vmul.f32 v13, v12  }
0x3c: {  	s25 =	simm.s32 $0x1420;
	v10 =	vld [tilespmem:s28+$0xFFFFFFF0];
	v15 =	vmax.f32 v15, $0.0e+00;
	v16 =	vmax.f32 v16, $0.0e+00;
	v13 =	vsub.f32 v7, v9  }
0x3d: {  	s26 =	simm.s32 $0x1E20;
	v7 =	vld [tilespmem:s28+$0x0];
	[tilespmem:s25+$0xFFFFFFE0] =	vst v12;
	v12 =	vmul.f32 v16, v15  }
0x3e: {  	v13 =	vmax.f32 v13, $0.0e+00;
	v15 =	vmax.f32 v17, $0.0e+00;
	v14 =	vsub.f32 v14, v20;
	v16 =	vld [tilespmem:s26+$0xFFFFFFE0]  }
0x3f: {  	v9 =	vld [tilespmem:s29+$0x0];
	[tilespmem:s25+$0xFFFFFFF0] =	vst v12;
	v12 =	vmul.f32 v15, v13  }
0x40: {  	v13 =	vmax.f32 v11, $0.0e+00;
	v14 =	vmax.f32 v14, $0.0e+00;
	v17 =	vld [tilespmem:s26+$0xFFFFFFF0]  }
0x41: {  	v11 =	vld [tilespmem:s29+$0xFFFFFFF0];
	[tilespmem:s25+$0x0] =	vst v12;
	v12 =	vmul.f32 v14, v13  }
0x42: {  	v13 =	vimm.f32 $-1.000000020e+30;
	v14 =	vld [tilespmem:s26+$0x0]  }
0x43: {  	v15 =	vld [tilespmem:s28+$0xFFFFFFE0];
	vm7 =	vgt.f32 v16, v13;
	[tilespmem:s25+$0x10] =	vst v12  }
0x44: {  	v12 =	vsel vm7, v16, v13;
	v13 =	vld [tilespmem:s26+$0x10]  }
0x45: {  	s30 =	simm.s32 $0xF60;
	v18 =	vimm.s32 $0x0;
	v16 =	vld [tilespmem:s29+$0xFFFFFFE0];
	vm8 =	vgt.f32 v17, v12  }
0x46: {  	s24 =	simm.s32 $0x1;
	s31 =	simm.s32 $0x560;
	s23 =	simm.s32 $0x4;
	v19 =	vsel vm7, s4, v18;
	v18 =	vld [tilespmem:s30+$0xFFFFFFE0];
	v17 =	vsel vm8, v17, v12  }
0x47: {  	s1 =	simm.s32 $0x8;
	s3 =	simm.s32 $0x2;
	v12 =	vsel vm8, s24, v19;
	v19 =	vld [tilespmem:s31+$0xFFFFFFE0];
	s24 =	simm.s32 $0x0;
	vm7 =	vgt.f32 v14, v17  }
.LBB2_2:
0x48: {  	p1 =	slt.u32 s1, $0x4C;
	v20 =	vld [tilespmem:s30+$0xFFFFFFF0];
	v14 =	vsel vm7, v14, v17;
	v12 =	vsel vm7, s3, v12  }
0x49: {  	s3 =	sadd.s32 $0x3, s24;
	s24 =	smov.u32 s23;
	s23 =	smov.u32 s1;
	v17 =	vld [tilespmem:s31+$0xFFFFFFF0];
	vm7 =	vgt.f32 v13, v14  }
0x4a: {  	v21 =	vld [tilespmem:s30+$0x0];
	v13 =	vsel vm7, v13, v14;
	v12 =	vsel vm7, s3, v12  }
0x4b: {  	v14 =	vld [tilespmem:s31+$0x0]  }
0x4c: {  	v15 =	vsub.f32 v15, v16;
	v16 =	vsub.f32 v18, v19;
	v18 =	vld [tilespmem:s30+$0x10]  }
0x4d: {  	v10 =	vsub.f32 v10, v11;
	s28 =	sadd.s32 $0x40, s28;
	v11 =	vld [tilespmem:s31+$0x10]  }
0x4e: {  	s29 =	sadd.s32 $0x40, s29;
	v15 =	vmax.f32 v15, $0.0e+00;
	v19 =	vld [tilespmem:s28+$0x10];
	v16 =	vmax.f32 v16, $0.0e+00;
	v17 =	vsub.f32 v20, v17  }
0x4f: {  	v20 =	vld [tilespmem:s29+$0x10];
	v15 =	vmul.f32 v16, v15;
	v16 =	vsub.f32 v7, v9  }
0x50: {  	s25 =	sadd.s32 $0x40, s25;
	v10 =	vmax.f32 v10, $0.0e+00;
	v7 =	vld [tilespmem:s28+$0x0];
	v17 =	vmax.f32 v17, $0.0e+00;
	v14 =	vsub.f32 v21, v14  }
0x51: {  	s26 =	sadd.s32 $0x40, s26;
	v21 =	vsub.f32 v6, v8;
	v9 =	vld [tilespmem:s29+$0x0];
	[tilespmem:s25+$0xFFFFFFE0] =	vst v15;
	v15 =	vmul.f32 v17, v10  }
0x52: {  	v16 =	vmax.f32 v16, $0.0e+00;
	v17 =	vld [tilespmem:s26+$0xFFFFFFE0];
	v14 =	vmax.f32 v14, $0.0e+00;
	v11 =	vsub.f32 v18, v11  }
0x53: {  	v10 =	vld [tilespmem:s28+$0xFFFFFFF0];
	[tilespmem:s25+$0xFFFFFFF0] =	vst v15;
	v14 =	vmul.f32 v14, v16;
	v6 =	vmov v19  }
0x54: {  	v15 =	vmax.f32 v21, $0.0e+00;
	v19 =	vld [tilespmem:s26+$0xFFFFFFF0];
	v16 =	vmax.f32 v11, $0.0e+00;
	v8 =	vmov v20  }
0x55: {  	v11 =	vld [tilespmem:s29+$0xFFFFFFF0];
	[tilespmem:s25+$0x0] =	vst v14;
	v16 =	vmul.f32 v16, v15  }
0x56: {  	v14 =	vld [tilespmem:s26+$0x0]  }
.Ltmp0:
0x57: {  	v15 =	vld [tilespmem:s28+$0xFFFFFFE0];
	vm7 =	vgt.f32 v17, v13;
	[tilespmem:s25+$0x10] =	vst v16;
	(pc) =	sbr.rel @p1 .LBB2_2-.Ltmp0, $4  }
0x58: {  	v17 =	vsel vm7, v17, v13;
	v12 =	vsel vm7, s24, v12;
	v13 =	vld [tilespmem:s26+$0x10]  }
0x59: {  	s3 =	sadd.s32 $0x1, s24;
	s30 =	sadd.s32 $0x40, s30;
	v16 =	vld [tilespmem:s29+$0xFFFFFFE0];
	vm7 =	vgt.f32 v19, v17  }
0x5a: {  	s31 =	sadd.s32 $0x40, s31;
	v18 =	vld [tilespmem:s30+$0xFFFFFFE0];
	v17 =	vsel vm7, v19, v17;
	v12 =	vsel vm7, s3, v12  }
0x5b: {  	s1 =	sadd.s32 $0x4, s1;
	s3 =	sadd.s32 $0x2, s24;
	v19 =	vld [tilespmem:s31+$0xFFFFFFE0];
	vm7 =	vgt.f32 v14, v17  }
0x5c: {  	v20 =	vld [tilespmem:s30+$0xFFFFFFF0]  }
0x5d: {  	v21 =	vld [tilespmem:s31+$0xFFFFFFF0]  }
0x5e: {  	v22 =	vld [tilespmem:s30+$0x0]  }
0x5f: {  	v23 =	vld [tilespmem:s31+$0x0]  }
0x60: {  	v43 =	vld [tilespmem:s30+$0x10];
	v15 =	vsub.f32 v15, v16;
	v42 =	vsub.f32 v18, v19  }
0x61: {  	v10 =	vsub.f32 v10, v11;
	v44 =	vld [tilespmem:s31+$0x10]  }
0x62: {  	v15 =	vmax.f32 v15, $0.0e+00;
	v45 =	vsub.f32 v20, v21;
	v16 =	vmax.f32 v42, $0.0e+00  }
0x63: {  	v7 =	vsub.f32 v7, v9;
	v15 =	vmul.f32 v16, v15  }
0x64: {  	s1 =	sadd.s32 $0x40, s25;
	v46 =	vmax.f32 v10, $0.0e+00;
	v48 =	vsub.f32 v22, v23;
	v47 =	vmax.f32 v45, $0.0e+00  }
0x65: {  	v6 =	vsub.f32 v6, v8;
	s26 =	sadd.s32 $0x40, s26;
	v9 =	vmul.f32 v47, v46;
	[tilespmem:s1+$0xFFFFFFE0] =	vst v15  }
0x66: {  	v7 =	vmax.f32 v7, $0.0e+00;
	v11 =	vsub.f32 v43, v44;
	v50 =	vmax.f32 v48, $0.0e+00;
	v49 =	vld [tilespmem:s26+$0xFFFFFFE0]  }
0x67: {  	v7 =	vmul.f32 v50, v7;
	[tilespmem:s1+$0xFFFFFFF0] =	vst v9  }
0x68: {  	v51 =	vsel vm7, v14, v17;
	v6 =	vmax.f32 v6, $0.0e+00;
	v11 =	vmax.f32 v11, $0.0e+00;
	v52 =	vld [tilespmem:s26+$0xFFFFFFF0]  }
0x69: {  	vm8 =	vgt.f32 v13, v51;
	v6 =	vmul.f32 v11, v6;
	[tilespmem:s1+$0x0] =	vst v7  }
0x6a: {  	v7 =	vsel vm8, v13, v51;
	v53 =	vld [tilespmem:s26+$0x0]  }
0x6b: {  	[tilespmem:s1+$0x10] =	vst v6;
	vm10 =	vgt.f32 v49, v7  }
0x6c: {  	v6 =	vsel vm10, v49, v7;
	v7 =	vld [tilespmem:s26+$0x10]  }
0x6d: {  	vm11 =	vgt.f32 v52, v6  }
0x6e: {  	v6 =	vsel vm11, v52, v6  }
0x6f: {  	vm12 =	vgt.f32 v53, v6  }
0x70: {  	v6 =	vsel vm12, v53, v6  }
0x71: {  	vm9 =	vgt.f32 v7, v6  }
0x72: {  	v6 =	vsel vm9, v7, v6  }
0x73: {  	v7 =	vperm.xlane v6, v0;
	_ =	sdelay $0x1  }
0x74: {  	v7 =	vmax.f32 v6, v7  }
0x75: {  	v54 =	vperm.xlane v7, v1;
	_ =	sdelay $0x1  }
0x76: {  	v7 =	vmax.f32 v7, v54  }
0x77: {  	v8 =	vperm.xlane v7, v2;
	_ =	sdelay $0x1  }
0x78: {  	v7 =	vmax.f32 v7, v8  }
0x79: {  	v8 =	vperm.xlane v7, v3;
	_ =	sdelay $0x1  }
0x7a: {  	v7 =	vmax.f32 v7, v8  }
0x7b: {  	vm13 =	veq.f32 v6, v7  }
0x7c: {  	v6 =	vnsel vm13, $0x10, v4  }
0x7d: {  	v55 =	vperm.xlane v6, v0;
	_ =	sdelay $0x1  }
0x7e: {  	vm13 =	vlt.s32 v6, v55  }
0x7f: {  	v6 =	vsel vm13, v6, v55  }
0x80: {  	v8 =	vperm.xlane v6, v1;
	_ =	sdelay $0x1  }
0x81: {  	vm13 =	vlt.s32 v6, v8  }
0x82: {  	v6 =	vsel vm13, v6, v8  }
0x83: {  	v8 =	vperm.xlane v6, v2;
	_ =	sdelay $0x1  }
0x84: {  	vm13 =	vlt.s32 v6, v8  }
0x85: {  	v56 =	vsel vm7, s3, v12;
	s28 =	sadd.s32 $0x3, s24;
	v6 =	vsel vm13, v6, v8  }
0x86: {  	v57 =	vsel vm8, s28, v56;
	v58 =	vperm.xlane v6, v3  }
0x87: {  	s29 =	sadd.s32 $0x1, s23;
	v8 =	vsel vm10, s23, v57  }
0x88: {  	s30 =	sadd.s32 $0x2, s23;
	v8 =	vsel vm11, s29, v8;
	vm7 =	vlt.s32 v6, v58  }
0x89: {  	s31 =	sadd.s32 $0x3, s23;
	v8 =	vsel vm12, s30, v8;
	v6 =	vsel vm7, v6, v58  }
0x8a: {  	v8 =	vsel vm9, s31, v8;
	vm7 =	veq.s32 v6, v4  }
0x8b: {  	v8 =	vnsel vm7, $0x0, v8  }
0x8c: {  	v59 =	vperm.xlane v8, v0;
	_ =	sdelay $0x1  }
0x8d: {  	vm7 =	vgt.s32 v8, v59  }
0x8e: {  	v8 =	vsel vm7, v8, v59  }
0x8f: {  	v9 =	vperm.xlane v8, v1;
	_ =	sdelay $0x1  }
0x90: {  	vm7 =	vgt.s32 v8, v9  }
0x91: {  	v8 =	vsel vm7, v8, v9  }
0x92: {  	v9 =	vperm.xlane v8, v2;
	_ =	sdelay $0x1  }
0x93: {  	vm7 =	vgt.s32 v8, v9  }
0x94: {  	v8 =	vsel vm7, v8, v9  }
0x95: {  	v9 =	vperm.xlane v8, v3;
	_ =	sdelay $0x1  }
0x96: {  	vm7 =	vgt.s32 v8, v9  }
0x97: {  	v8 =	vsel vm7, v8, v9  }
0x98: {  	v8 =	vshll.u32 v8, $0x4  }
0x99: {  	v6 =	vadd.s32 v6, v8;
	_ =	sdelay $0x4  }
0x9a: {  	v8 =	vld.idx.msk [tilespmem:v6+s16+$0x0], $0xffff  }
0x9b: {  	v60 =	vld.idx.msk [tilespmem:v6+s18+$0x0], $0xffff  }
0x9c: {  	v61 =	vld.idx.msk [tilespmem:v6+s15+$0x0], $0xffff  }
0x9d: {  	v62 =	vld.idx.msk [tilespmem:v6+s14+$0x0], $0xffff  }
0x9e: {  	s23 =	simm.s32 $0x0;
	v63 =	vld.idx.msk [tilespmem:v6+s13+$0x0], $0xffff  }
0x9f: {  	v6 =	vld.idx.msk [tilespmem:v6+s23+$0x0], $0xffff;
	v8 =	vsel vm0, $0x0, v8  }
0xa0: {  	v8 =	vsel vm1, v8, v60  }
0xa1: {  	v8 =	vsel vm2, v8, v61  }
0xa2: {  	v8 =	vsel vm3, v8, v62  }
0xa3: {  	v8 =	vsel vm4, v8, v63  }
0xa4: {  	v6 =	vsel vm5, v8, v6  }
0xa5: {  	v6 =	vsel vm6, v7, v6  }
0xa6: {  	[tilespmem:$0x2300] =	vst v6  }
0xa7: {  	[spmem:s10] =	stream.linear.scatter [tilespmem:s19], [sflag:$0x1], $0x10, $0x38;
	[tilespmem:$0x2720] =	vst v63  }
0xa8: {  	_ =	swait.ge [sflag:s12], $0x10  }
0xa9: {  	[sflag:s12] =	ssyncset.done $0x0  }
0xaa: {  	[sflag:s12] =	ssyncadd.s32 $0xFFFFFFF0  }
0xab: {  	s24 =	simm.s32 $0x0;
	[bflag:$0x0] =	sbarrier.arrive $0xFFFF  }
.LBB2_4:
0xac: {  	s1 =	sand.u32 $0x1, s24  }
0xad: {  	s25 =	sshll.u32 s1, $0x8  }
0xae: {  	s1 =	sadd.s32 s25, s2  }
0xaf: {  	[tilespmem:s20], [sflag:$0x1] =	stream.linear.gather [spmem:s1], $0x100, $0x38;
	[tilespmem:$0x2720] =	vst v63  }
0xb0: {  	_ =	swait.ge [sflag:s12], $0x100  }
0xb1: {  	[sflag:s12] =	ssyncset.done $0x0  }
0xb2: {  	[sflag:s12] =	ssyncadd.s32 $0xFFFFFF00  }
0xb3: {  	v6 =	vld.idx.msk [tilespmem:v5+s20+$0x0], $0xffff;
	_ =	sdelay $0x4  }
0xb4: {  	v7 =	vperm.xlane v6, v0;
	_ =	sdelay $0x1  }
0xb5: {  	v7 =	vmax.f32 v6, v7  }
0xb6: {  	v8 =	vperm.xlane v7, v1;
	_ =	sdelay $0x1  }
0xb7: {  	v7 =	vmax.f32 v7, v8  }
0xb8: {  	v8 =	vperm.xlane v7, v2;
	_ =	sdelay $0x1  }
0xb9: {  	v7 =	vmax.f32 v7, v8  }
0xba: {  	v8 =	vperm.xlane v7, v3;
	_ =	sdelay $0x1  }
0xbb: {  	v7 =	vmax.f32 v7, v8  }
0xbc: {  	vm7 =	veq.f32 v6, v7  }
0xbd: {  	v6 =	vnsel vm7, $0x10, v4  }
0xbe: {  	v7 =	vperm.xlane v6, v0;
	_ =	sdelay $0x1  }
0xbf: {  	vm7 =	vlt.s32 v6, v7  }
0xc0: {  	v6 =	vsel vm7, v6, v7  }
0xc1: {  	v7 =	vperm.xlane v6, v1;
	_ =	sdelay $0x1  }
0xc2: {  	vm7 =	vlt.s32 v6, v7  }
0xc3: {  	v6 =	vsel vm7, v6, v7  }
0xc4: {  	v7 =	vperm.xlane v6, v2;
	_ =	sdelay $0x1  }
0xc5: {  	vm7 =	vlt.s32 v6, v7  }
0xc6: {  	v6 =	vsel vm7, v6, v7  }
0xc7: {  	v7 =	vperm.xlane v6, v3;
	_ =	sdelay $0x1  }
0xc8: {  	vm7 =	vlt.s32 v6, v7  }
0xc9: {  	v6 =	vsel vm7, v6, v7  }
0xca: {  	v6 =	vshll.u32 v6, $0x4  }
0xcb: {  	v7 =	vor.u32 $0x6, v6  }
0xcc: {  	v8 =	vor.u32 $0x4, v6  }
0xcd: {  	v9 =	vor.u32 $0x3, v6  }
0xce: {  	v10 =	vor.u32 $0x2, v6  }
0xcf: {  	v11 =	vor.u32 $0x1, v6  }
0xd0: {  	v12 =	vld.idx.msk [tilespmem:v7+s20+$0x0], $0xffff  }
0xd1: {  	v8 =	vld.idx.msk [tilespmem:v8+s20+$0x0], $0xffff  }
0xd2: {  	v9 =	vld.idx.msk [tilespmem:v9+s20+$0x0], $0xffff  }
0xd3: {  	v7 =	vld.idx.msk [tilespmem:v10+s20+$0x0], $0xffff  }
0xd4: {  	s26 =	sshll.u32 s24, $0x4;
	v10 =	vld.idx.msk [tilespmem:v11+s20+$0x0], $0xffff  }
0xd5: {  	v6 =	vor.u32 $0x5, v6;
	v11 =	vsel vm2, $0x0, v12;
	v12 =	vor.u32 s26, v4  }
0xd6: {  	v11 =	vsel vm3, v11, v8  }
0xd7: {  	v11 =	vsel vm4, v11, v9  }
0xd8: {  	v11 =	vsel vm5, v11, v7  }
0xd9: {  	v11 =	vsel vm6, v10, v11  }
0xda: {  	s28 =	simm.s32 $0x0;
	v6 =	vld.idx.msk [tilespmem:v6+s20+$0x0], $0xffff;
	[tilespmem:v12+s21+$0x0] =	vst.idx.msk $0xffff, v11  }
0xdb: {  	v14 =	vld [tilespmem:s28+$0x1430]  }
0xdc: {  	v15 =	vld [tilespmem:s28+$0xA20]  }
0xdd: {  	v13 =	vld [tilespmem:s28+$0xF20]  }
0xde: {  	v16 =	vld [tilespmem:s28+$0xA30]  }
0xdf: {  	v17 =	vld [tilespmem:s28+$0x530]  }
0xe0: {  	v18 =	vld [tilespmem:s28+$0xF30]  }
0xe1: {  	v19 =	vld [tilespmem:s28+$0x30]  }
0xe2: {  	v20 =	vld [tilespmem:s28+$0xF10]  }
0xe3: {  	v21 =	vld [tilespmem:s28+$0x510]  }
0xe4: {  	v22 =	vld [tilespmem:s28+$0xA10]  }
0xe5: {  	v23 =	vld [tilespmem:s28+$0xF00]  }
0xe6: {  	v24 =	vld [tilespmem:s28+$0x10]  }
0xe7: {  	v25 =	vld [tilespmem:s28+$0x0]  }
0xe8: {  	v26 =	vld [tilespmem:s28+$0xA00]  }
0xe9: {  	v27 =	vld [tilespmem:s28+$0x20]  }
0xea: {  	v28 =	vld [tilespmem:s28+$0x500]  }
0xeb: {  	v11 =	vadd.f32 $9.999999930e-09, v6;
	v29 =	vld [tilespmem:s28+$0x520]  }
0xec: {  	v12 =	vimm.f32 $-1.000000020e+30;
	v6 =	vimm.s32 $0x0;
	v30 =	vld [tilespmem:s28+$0x1400];
	v32 =	vmin.f32 v13, v8  }
0xed: {  	v31 =	vld [tilespmem:s28+$0x1410];
	v13 =	vmax.f32 v17, v7;
	v16 =	vmin.f32 v16, v9;
	v17 =	vmin.f32 v18, v8  }
0xee: {  	v33 =	vld [tilespmem:s28+$0x1420];
	v18 =	vmax.f32 v19, v10;
	v19 =	vmin.f32 v23, v8;
	v25 =	vmax.f32 v25, v10  }
0xef: {  	v34 =	vld [tilespmem:s28+$0x1E10];
	v26 =	vmin.f32 v26, v9;
	v28 =	vmax.f32 v28, v7;
	v20 =	vmin.f32 v20, v8  }
0xf0: {  	v63 =	vld [tilespmem:s28+$0x1E20];
	v15 =	vmin.f32 v15, v9;
	v24 =	vmax.f32 v24, v10;
	v14 =	vadd.f32 v14, v11  }
0xf1: {  	s26 =	simm.s32 $0x40;
	v23 =	vld [tilespmem:s28+$0x1E00];
	v22 =	vmin.f32 v22, v9;
	v17 =	vsub.f32 v17, v13;
	v25 =	vsub.f32 v26, v25  }
0xf2: {  	v27 =	vmax.f32 v27, v10;
	v19 =	vsub.f32 v19, v28;
	v26 =	vld [tilespmem:s26+$0xA20];
	v16 =	vsub.f32 v16, v18  }
0xf3: {  	v18 =	vmax.f32 v21, v7;
	v28 =	vld [tilespmem:s26+$0xA30];
	v15 =	vsub.f32 v15, v27;
	v27 =	vadd.f32 v33, v11  }
0xf4: {  	v29 =	vmax.f32 v29, v7;
	v18 =	vsub.f32 v20, v18;
	v20 =	vsub.f32 v22, v24;
	v22 =	vld [tilespmem:s26+$0xF30]  }
0xf5: {  	v21 =	vld [tilespmem:s26+$0xF20];
	v17 =	vmax.f32 v17, $0.0e+00;
	v25 =	vmax.f32 v25, $0.0e+00;
	v19 =	vmax.f32 v19, $0.0e+00  }
0xf6: {  	v24 =	vld [tilespmem:s26+$0x30];
	v16 =	vmax.f32 v16, $0.0e+00;
	v15 =	vmax.f32 v15, $0.0e+00;
	v19 =	vmul.f32 v19, v25  }
0xf7: {  	v25 =	vld [tilespmem:s26+$0x530];
	v16 =	vmul.f32 v17, v16;
	v18 =	vmax.f32 v18, $0.0e+00;
	v20 =	vmax.f32 v20, $0.0e+00  }
0xf8: {  	v18 =	vmul.f32 v18, v20;
	v20 =	vld [tilespmem:s26+$0xA10];
	v17 =	vmul.f32 $3.000000000e+00, v19;
	v19 =	vadd.f32 v30, v11  }
0xf9: {  	v30 =	vld [tilespmem:s26+$0xF10];
	v16 =	vmul.f32 $3.000000000e+00, v16;
	v28 =	vmin.f32 v28, v9;
	v22 =	vmin.f32 v22, v8  }
0xfa: {  	vm7 =	vgt.f32 v17, v19;
	v17 =	vld [tilespmem:s26+$0x510];
	v19 =	vsub.f32 v32, v29;
	v29 =	vadd.f32 v31, v11  }
0xfb: {  	v31 =	vmul.f32 $3.000000000e+00, v18;
	v18 =	vmin.f32 v21, v8;
	v38 =	vsel vm7, $0xF149F2CA, v23;
	v23 =	vld [tilespmem:s28+$0x1E30]  }
0xfc: {  	v13 =	vld [tilespmem:s26+$0x1430];
	vm7 =	vgt.f32 v16, v14;
	v16 =	vmax.f32 v25, v7;
	[tilespmem:s28+$0x1E00] =	vst v38;
	v19 =	vmax.f32 v19, $0.0e+00  }
0xfd: {  	vm8 =	vgt.f32 v31, v29;
	v16 =	vsub.f32 v22, v16;
	v20 =	vmin.f32 v20, v9;
	v61 =	vld [tilespmem:s26+$0xF00]  }
0xfe: {  	v14 =	vld [tilespmem:s26+$0x10];
	v21 =	vsel vm8, $0xF149F2CA, v34;
	v15 =	vmul.f32 v19, v15;
	v19 =	vmax.f32 v24, v10  }
0xff: {  	v25 =	vld [tilespmem:s26+$0x0];
	v22 =	vmin.f32 v30, v8;
	v24 =	vmin.f32 v26, v9;
	[tilespmem:s28+$0x1E10] =	vst v21;
	v19 =	vsub.f32 v28, v19  }
0x100: {  	v29 =	vld [tilespmem:s26+$0xA00];
	v15 =	vmul.f32 $3.000000000e+00, v15;
	v17 =	vmax.f32 v17, v7;
	v23 =	vsel vm7, $0xF149F2CA, v23  }
0x101: {  	v16 =	vmax.f32 v16, $0.0e+00;
	v62 =	vld [tilespmem:s26+$0x20];
	vm7 =	vgt.f32 v21, v12;
	v22 =	vsub.f32 v22, v17;
	[tilespmem:s28+$0x1E30] =	vst v23  }
0x102: {  	v19 =	vmax.f32 v19, $0.0e+00;
	vm8 =	vgt.f32 v23, v12;
	vm9 =	vgt.f32 v15, v27;
	v31 =	vld [tilespmem:s26+$0x500]  }
0x103: {  	s30 =	simm.s32 $0x1;
	v19 =	vmul.f32 v16, v19;
	v32 =	vmin.f32 v61, v8;
	v30 =	vld [tilespmem:s26+$0x520];
	v15 =	vmax.f32 v14, v10  }
0x104: {  	v14 =	vsel vm7, s30, v6;
	v27 =	vmax.f32 v25, v10;
	v25 =	vld [tilespmem:s26+$0x1400];
	v17 =	vsel vm8, v23, v12  }
0x105: {  	v26 =	vld [tilespmem:s26+$0x1410];
	v36 =	vsel vm9, $0xF149F2CA, v63;
	v33 =	vmax.f32 v22, $0.0e+00;
	v23 =	vmin.f32 v29, v9  }
0x106: {  	s31 =	simm.s32 $0x3;
	v28 =	vld [tilespmem:s26+$0x1420];
	v22 =	vimm.f32 $-1.000000020e+30;
	v20 =	vsub.f32 v20, v15;
	v27 =	vsub.f32 v23, v27  }
0x107: {  	v15 =	vsel vm8, s31, v6;
	vm8 =	vgt.f32 v38, v12;
	v37 =	vmax.f32 v62, v10;
	v29 =	vld [tilespmem:s26+$0x1E00]  }
0x108: {  	s3 =	simm.s32 $0x200;
	v16 =	vsel vm8, s23, v6;
	v23 =	vld [tilespmem:s26+$0x1E10];
	[tilespmem:s28+$0x1E20] =	vst v36;
	v34 =	vmax.f32 v20, $0.0e+00;
	v35 =	vmax.f32 v27, $0.0e+00  }
0x109: {  	s29 =	simm.s32 $0x4;
	s1 =	simm.s32 $0x2;
	s28 =	simm.s32 $0x4;
	v20 =	vld [tilespmem:s26+$0x1E20];
	v27 =	vmul.f32 $3.000000000e+00, v19;
	v19 =	vsel vm8, v38, v12;
	vm8 =	vgt.f32 v36, v12  }
.LBB2_5:
0x10a: {  	s30 =	smov.u32 s3  }
0x10b: {  	s31 =	sshra.s32 s3, $0x2;
	v31 =	vmax.f32 v31, v7;
	v38 =	vld [tilespmem:s26+$0x1E30];
	s29 =	sadd.s32 $0x4, s29;
	v12 =	vsel vm7, v21, v12;
	v22 =	vsel vm8, v36, v22;
	s30 =	sadd.s32 $0x100, s3  }
0x10c: {  	p1 =	sne.s32 s3, $0x1300;
	v24 =	vsub.f32 v24, v37;
	v6 =	vsel vm8, s1, v6;
	v31 =	vsub.f32 v32, v31;
	v21 =	vld [tilespmem:s31+$0x1430]  }
0x10d: {  	v30 =	vmax.f32 v30, v7;
	v32 =	vld [tilespmem:s31+$0xA20]  }
0x10e: {  	v30 =	vsub.f32 v18, v30;
	v31 =	vmax.f32 v31, $0.0e+00;
	v36 =	vld [tilespmem:s31+$0xF20]  }
0x10f: {  	v18 =	vmul.f32 v31, v35;
	v37 =	vld [tilespmem:s31+$0xA30]  }
0x110: {  	v31 =	vld [tilespmem:s31+$0x530]  }
0x111: {  	v25 =	vadd.f32 v25, v11;
	v40 =	vadd.f32 v13, v11;
	v39 =	vmul.f32 $3.000000000e+00, v18;
	v35 =	vld [tilespmem:s31+$0xF30];
	v13 =	vmovc v21  }
0x112: {  	v33 =	vmul.f32 v33, v34;
	v26 =	vadd.f32 v26, v11;
	v28 =	vadd.f32 v28, v11;
	v21 =	vld [tilespmem:s31+$0x30]  }
0x113: {  	vm7 =	vgt.f32 v39, v25;
	v25 =	vmax.f32 v30, $0.0e+00;
	v34 =	vld [tilespmem:s31+$0xF10];
	v18 =	vmin.f32 v36, v8  }
0x114: {  	vm8 =	vgt.f32 v27, v40;
	v39 =	vsel vm7, $0xF149F2CA, v29;
	v29 =	vmul.f32 $3.000000000e+00, v33;
	v30 =	vld [tilespmem:s31+$0x510]  }
0x115: {  	v24 =	vmax.f32 v24, $0.0e+00;
	v33 =	vmin.f32 v37, v9;
	v27 =	vld [tilespmem:s31+$0xA10];
	v31 =	vmax.f32 v31, v7;
	[tilespmem:s26+$0x1E00] =	vst v39  }
0x116: {  	v24 =	vmul.f32 v25, v24;
	vm7 =	vgt.f32 v29, v26;
	v36 =	vld [tilespmem:s31+$0xF00];
	v35 =	vmin.f32 v35, v8  }
0x117: {  	v25 =	vld [tilespmem:s31+$0x10];
	v26 =	vmax.f32 v21, v10;
	v29 =	vsub.f32 v35, v31;
	v21 =	vsel vm7, $0xF149F2CA, v23  }
0x118: {  	v23 =	vld [tilespmem:s31+$0x0];
	v34 =	vmin.f32 v34, v8;
	v26 =	vsub.f32 v33, v26;
	[tilespmem:s26+$0x1E10] =	vst v21;
	v33 =	vmul.f32 $3.000000000e+00, v24  }
0x119: {  	v37 =	vsel vm8, $0xF149F2CA, v38;
	vm7 =	vgt.f32 v21, v12;
	v35 =	vld [tilespmem:s31+$0xA00];
	v29 =	vmax.f32 v29, $0.0e+00  }
0x11a: {  	vm8 =	vgt.f32 v37, v17;
	v24 =	vmin.f32 v32, v9;
	v30 =	vmax.f32 v30, v7;
	v38 =	vld [tilespmem:s31+$0x20];
	[tilespmem:s26+$0x1E30] =	vst v37  }
0x11b: {  	s1 =	sadd.s32 $0x1, s28;
	v34 =	vsub.f32 v34, v30;
	v40 =	vmax.f32 v26, $0.0e+00;
	vm9 =	vgt.f32 v33, v28;
	v31 =	vld [tilespmem:s31+$0x500]  }
0x11c: {  	v14 =	vsel vm7, s1, v14;
	v32 =	vmin.f32 v36, v8;
	v26 =	vmax.f32 v25, v10;
	v30 =	vld [tilespmem:s31+$0x520]  }
0x11d: {  	v17 =	vsel vm8, v37, v17;
	s1 =	sadd.s32 $0x3, s28;
	v27 =	vmin.f32 v27, v9;
	v23 =	vmax.f32 v23, v10;
	v25 =	vld [tilespmem:s31+$0x1400]  }
.Ltmp1:
0x11e: {  	v15 =	vsel vm8, s1, v15;
	v41 =	vsub.f32 v27, v26;
	v28 =	vmin.f32 v35, v9;
	v26 =	vld [tilespmem:s31+$0x1410];
	(pc) =	sbr.rel @p1 .LBB2_5-.Ltmp1, $4  }
0x11f: {  	vm8 =	vgt.f32 v39, v19;
	v40 =	vmul.f32 v29, v40;
	v27 =	vsub.f32 v28, v23;
	v28 =	vld [tilespmem:s31+$0x1420]  }
0x120: {  	v16 =	vsel vm8, s28, v16;
	v36 =	vsel vm9, $0xF149F2CA, v20;
	v37 =	vmax.f32 v38, v10;
	v23 =	vld [tilespmem:s31+$0x1E10]  }
0x121: {  	v33 =	vmax.f32 v34, $0.0e+00;
	v35 =	vmax.f32 v27, $0.0e+00;
	v29 =	vld [tilespmem:s31+$0x1E00];
	v27 =	vmul.f32 $3.000000000e+00, v40;
	[tilespmem:s26+$0x1E20] =	vst v36;
	s26 =	smov.u32 s31  }
0x122: {  	s3 =	smov.u32 s30;
	s1 =	sadd.s32 $0x2, s28;
	v19 =	vsel vm8, v39, v19;
	s28 =	smov.u32 s29;
	vm8 =	vgt.f32 v36, v22;
	v34 =	vmax.f32 v41, $0.0e+00;
	v20 =	vld [tilespmem:s26+$0x1E20]  }
0x123: {  	v8 =	vmax.f32 v31, v7  }
0x124: {  	v8 =	vsub.f32 v32, v8  }
0x125: {  	v7 =	vmax.f32 v30, v7;
	v9 =	vsub.f32 v24, v37  }
0x126: {  	v10 =	vmul.f32 v33, v34;
	v7 =	vsub.f32 v18, v7;
	v8 =	vmax.f32 v8, $0.0e+00  }
0x127: {  	v49 =	vadd.f32 v25, v11;
	v8 =	vmul.f32 v8, v35  }
0x128: {  	v9 =	vmax.f32 v9, $0.0e+00;
	v10 =	vmul.f32 $3.000000000e+00, v10;
	v7 =	vmax.f32 v7, $0.0e+00  }
0x129: {  	v50 =	vadd.f32 v26, v11;
	v7 =	vmul.f32 v7, v9;
	v8 =	vmul.f32 $3.000000000e+00, v8  }
0x12a: {  	v51 =	vsel vm7, v21, v12;
	v52 =	vsel vm8, v36, v22;
	v53 =	vadd.f32 v28, v11  }
0x12b: {  	v54 =	vld [tilespmem:s26+$0x1E30];
	vm9 =	vgt.f32 v10, v50;
	v7 =	vmul.f32 $3.000000000e+00, v7;
	vm7 =	vgt.f32 v8, v49  }
0x12c: {  	v55 =	vadd.f32 v13, v11;
	v57 =	vsel vm9, $0xF149F2CA, v23;
	v56 =	vsel vm7, $0xF149F2CA, v29  }
0x12d: {  	vm10 =	vgt.f32 v7, v53;
	vm7 =	vgt.f32 v57, v51;
	vm9 =	vgt.f32 v56, v19  }
0x12e: {  	v7 =	vsel vm10, $0xF149F2CA, v20;
	v9 =	vsel vm7, v57, v51;
	v58 =	vsel vm9, v56, v19  }
0x12f: {  	vm12 =	vgt.f32 v27, v55;
	vm11 =	vgt.f32 v7, v52;
	vm10 =	vgt.f32 v9, v58  }
0x130: {  	v8 =	vsel vm12, $0xF149F2CA, v54;
	v12 =	vsel vm11, v7, v52;
	v9 =	vsel vm10, v9, v58  }
0x131: {  	vm13 =	vgt.f32 v8, v17;
	vm12 =	vgt.f32 v12, v9  }
0x132: {  	v59 =	vsel vm13, v8, v17;
	v9 =	vsel vm12, v12, v9  }
0x133: {  	vm14 =	vgt.f32 v59, v9  }
0x134: {  	v9 =	vsel vm14, v59, v9  }
0x135: {  	v60 =	vperm.xlane v9, v0;
	_ =	sdelay $0x1  }
0x136: {  	v12 =	vmax.f32 v9, v60  }
0x137: {  	v61 =	vperm.xlane v12, v1;
	_ =	sdelay $0x1  }
0x138: {  	v12 =	vmax.f32 v12, v61  }
0x139: {  	v13 =	vperm.xlane v12, v2;
	_ =	sdelay $0x1  }
0x13a: {  	v12 =	vmax.f32 v12, v13  }
0x13b: {  	v13 =	vperm.xlane v12, v3;
	_ =	sdelay $0x1  }
0x13c: {  	v12 =	vmax.f32 v12, v13  }
0x13d: {  	vm15 =	veq.f32 v9, v12  }
0x13e: {  	v9 =	vnsel vm15, $0x10, v4  }
0x13f: {  	v62 =	vperm.xlane v9, v0;
	_ =	sdelay $0x1  }
0x140: {  	vm15 =	vlt.s32 v9, v62  }
0x141: {  	v9 =	vsel vm15, v9, v62  }
0x142: {  	v13 =	vperm.xlane v9, v1;
	_ =	sdelay $0x1  }
0x143: {  	vm15 =	vlt.s32 v9, v13  }
0x144: {  	v9 =	vsel vm15, v9, v13  }
0x145: {  	v13 =	vperm.xlane v9, v2;
	_ =	sdelay $0x1  }
0x146: {  	vm15 =	vlt.s32 v9, v13  }
0x147: {  	v9 =	vsel vm15, v9, v13  }
0x148: {  	s3 =	sadd.s32 $0x1, s28;
	v13 =	vperm.xlane v9, v3  }
0x149: {  	v6 =	vsel vm8, s1, v6;
	s29 =	sadd.s32 $0x2, s28;
	v14 =	vsel vm7, s3, v14;
	v16 =	vsel vm9, s28, v16  }
0x14a: {  	s30 =	sadd.s32 $0x3, s28;
	v6 =	vsel vm11, s29, v6;
	v14 =	vsel vm10, v14, v16;
	vm7 =	vlt.s32 v9, v13  }
0x14b: {  	v15 =	vsel vm13, s30, v15;
	v6 =	vsel vm12, v6, v14;
	v9 =	vsel vm7, v9, v13  }
0x14c: {  	v6 =	vsel vm14, v15, v6;
	vm7 =	veq.s32 v9, v4  }
0x14d: {  	v6 =	vnsel vm7, $0x0, v6  }
0x14e: {  	v63 =	vperm.xlane v6, v0;
	_ =	sdelay $0x1  }
0x14f: {  	vm7 =	vgt.s32 v6, v63  }
0x150: {  	v6 =	vsel vm7, v6, v63  }
0x151: {  	v13 =	vperm.xlane v6, v1;
	_ =	sdelay $0x1  }
0x152: {  	vm7 =	vgt.s32 v6, v13  }
0x153: {  	v6 =	vsel vm7, v6, v13  }
0x154: {  	v13 =	vperm.xlane v6, v2;
	_ =	sdelay $0x1  }
0x155: {  	vm7 =	vgt.s32 v6, v13  }
0x156: {  	v6 =	vsel vm7, v6, v13  }
0x157: {  	v13 =	vperm.xlane v6, v3;
	_ =	sdelay $0x1  }
0x158: {  	vm7 =	vgt.s32 v6, v13  }
0x159: {  	v6 =	vsel vm7, v6, v13  }
0x15a: {  	v6 =	vshll.u32 v6, $0x4  }
0x15b: {  	v6 =	vadd.s32 v9, v6  }
0x15c: {  	[tilespmem:s26+$0x1E10] =	vst v57  }
0x15d: {  	[tilespmem:s26+$0x1E30] =	vst v8  }
0x15e: {  	[tilespmem:s26+$0x1E00] =	vst v56  }
0x15f: {  	[tilespmem:s26+$0x1E20] =	vst v7  }
0x160: {  	v7 =	vld.idx.msk [tilespmem:v6+s16+$0x0], $0xffff  }
0x161: {  	v8 =	vld.idx.msk [tilespmem:v6+s18+$0x0], $0xffff  }
0x162: {  	v9 =	vld.idx.msk [tilespmem:v6+s15+$0x0], $0xffff  }
0x163: {  	v10 =	vld.idx.msk [tilespmem:v6+s14+$0x0], $0xffff  }
0x164: {  	v11 =	vld.idx.msk [tilespmem:v6+s13+$0x0], $0xffff  }
0x165: {  	v6 =	vld.idx.msk [tilespmem:v6+s4+$0x0], $0xffff;
	v7 =	vsel vm0, $0x0, v7  }
0x166: {  	v7 =	vsel vm1, v7, v8  }
0x167: {  	v7 =	vsel vm2, v7, v9  }
0x168: {  	v7 =	vsel vm3, v7, v10  }
0x169: {  	v7 =	vsel vm4, v7, v11  }
0x16a: {  	v6 =	vsel vm5, v7, v6  }
0x16b: {  	s31 =	sxor.u32 $0x100, s25;
	s24 =	sadd.s32 $0x1, s24;
	v6 =	vsel vm6, v12, v6  }
0x16c: {  	s1 =	sadd.s32 s31, s10;
	p1 =	sne.s32 s24, $0x28;
	[tilespmem:$0x2300] =	vst v6  }
0x16d: {  	[spmem:s1] =	stream.linear.scatter [tilespmem:s19], [sflag:$0x1], $0x10, $0x38;
	[tilespmem:$0x2720] =	vst v63  }
.Ltmp2:
0x16e: {  	_ =	swait.ge [sflag:s12], $0x10;
	(pc) =	sbr.rel @p1 .LBB2_4-.Ltmp2, $3  }
0x16f: {  	[sflag:s12] =	ssyncset.done $0x0  }
0x170: {  	[sflag:s12] =	ssyncadd.s32 $0xFFFFFFF0  }
0x171: {  	[bflag:$0x0] =	sbarrier.arrive $0xFFFF;
	_ =	sdelay $0x1  }
0x172: {  	s1 =	simm.s32 @!p0 $0x0;
	s3 =	simm.s32 @!p0 $0x2480;
	s22 =	sadd.s32 $0x1, s22  }
0x173: {  	[hbm4b:s0+s1] =	stream.linear.scatter @!p0 [tilespmem:s3], [sflag:$0x1], $0x280, $0x38;
	[tilespmem:$0x2720] =	vst v63  }
0x174: {  	p1 =	sne.s32 s22, s11  }
.Ltmp3:
0x175: {  	_ = 	snop;
	(pc) =	sbr.rel @p1 .LBB2_1-.Ltmp3, $4  }
0x176: {  	s1 =	simm.s32 @!p0 $0x1  }
0x177: {  	_ =	swait.ge @!p0 [sflag:s1], $0x280  }
0x178: {  	[sflag:s1] =	ssyncset.done @!p0 $0x0  }
0x179: {  	[sflag:s1] =	ssyncadd.s32 @!p0 $0xFFFFFD80  }
0x17a: {  	_ =	sfence.sel $0x180000  }
0x17b: {  	[bflag:$0x0] =	sbarrier.arrive $0xFFFF  }
0x17c: {  	_ =	strace $0x90000047  }
0x17d: {  	s0 =	stileid.u32;
	[bflag:$0x2] =	sbarrier.arrive $0xFFFF  }
0x17e: {  	p0 =	sne.s32 s0, $0x0;
	s0 =	rddreg [dreg:$0x7]  }
0x17f: {  	s0 =	sadd.s32 @!p0 $0x100000, s0  }
0x180: {  	[sflag:s0] =	ssyncadd.tile.s32 @!p0 $0x1;
	_ =	shalt  }
.Lfunc_end2:
_tile_overlayer_lowered:
.L_overlay_start_2:
0x181: {  	(tag) =	ssettag $0x2  }
0x182: {  	s0 =	rddreg [dreg:$0x0];
	s2 =	stileid.u32  }
0x183: {  	s1 =	rddreg [dreg:$0x1];
	p0 =	sne.s32 s2, $0x0  }
0x184: {  	s3 =	rddreg [dreg:$0x2];
	[bflag:$0x3] =	sbarrier.arrive $0xFFFF;
	s2 =	simm.s32 @!p0 $0x1C01  }
0x185: {  	[timem:s3], [sflag:s2] =	dma.local @!p0 [hbm:s0], s1  }
0x186: {  	s0 =	simm.s32 @!p0 $0x1  }
0x187: {  	_ =	swait.ge @!p0 [sflag:s0], s1  }
0x188: {  	s1 =	ssub.s32 @!p0 $0x0, s1;
	[sflag:s0] =	ssyncset.done @!p0 $0x0  }
0x189: {  	[sflag:s0] =	ssyncadd.s32 @!p0 s1  }
0x18a: {  	[bflag:$0x3] =	sbarrier.arrive $0xFFFF  }
0x18b: {  	_ =	shalt  }

</sc_bundles>
